<compile_context>
chip_gen: v7x
topology: tpu7x:2x2x1
jax: 0.10.2.dev20260603
libtpu: 0.0.44.dev20260713+nightly
codegen_flags: <defaults>
</compile_context>

<pallas_src>
import functools

import jax
import jax.numpy as jnp
from jax import lax
from jax.experimental import pallas as pl
from jax.experimental.pallas import tpu as pltpu
from jax.experimental.pallas import tpu_sc as plsc


def kernel(action_type, action_embeddings):
    (B,) = action_type.shape
    V, D = action_embeddings.shape

    info = plsc.get_sparse_core_info()
    NC, NS = info.num_cores, info.num_subcores
    NW = NC * NS
    b_per_w = B // NW

    mesh = plsc.VectorSubcoreMesh(core_axis_name="c", subcore_axis_name="s")

    @functools.partial(
        pl.kernel,
        mesh=mesh,
        out_type=jax.ShapeDtypeStruct((B, D), jnp.float32),
        scratch_types=[
            pltpu.VMEM_SHARED((V, D), jnp.float32),
            pltpu.VMEM((V, D), jnp.float32),
            pltpu.VMEM((b_per_w,), jnp.int32),
            pltpu.SemaphoreType.DMA,
            pltpu.SemaphoreType.DMA,
        ],
    )
    def gather_kernel(
        idx_hbm, table_hbm, out_hbm, table_sh, table_v, idx_v, ssem, dsem
    ):
        sid = lax.axis_index("s")
        wid = sid * NC + lax.axis_index("c")
        base = wid * b_per_w

        icopy = pltpu.async_copy(idx_hbm.at[pl.ds(base, b_per_w)], idx_v, ssem)

        @pl.when(sid == 0)
        def _():
            pltpu.async_copy(table_hbm, table_sh, ssem).wait()

        plsc.subcore_barrier()
        pltpu.async_copy(table_sh, table_v, ssem).wait()
        icopy.wait()

        def fire(g, carry):
            iv = idx_v[pl.ds(g * 16, 16)]
            for k in range(16):
                row = iv[k]
                pltpu.async_copy(
                    table_v.at[row], out_hbm.at[base + g * 16 + k], dsem
                )
            return carry

        lax.fori_loop(0, b_per_w // 16, fire, 0)

        def drain(g, carry):
            for k in range(16):
                pltpu.make_async_copy(
                    table_v.at[0], out_hbm.at[base], dsem
                ).wait()
            return carry

        lax.fori_loop(0, b_per_w // 16, drain, 0)

    return gather_kernel(action_type.astype(jnp.int32), action_embeddings)

# --- scband reference (transcript-rebuilt; emitter-appended) ---
"""Pipeline reference for scband-action-embedding-2319282340569 (READ-ONLY COPY).

The authoritative reference and input builder live on the scoring server;
editing this copy changes nothing except your own understanding.
"""

import jax, jax.numpy as jnp
import numpy as np

NUM_ACTIONS = 64
ACTION_DIM = 256
BATCH = 16384


def setup_inputs(seed: int = 0) -> dict:
    key = jax.random.key(seed)
    k1, k2 = jax.random.split(key)
    action_embeddings = jax.random.normal(k1, (NUM_ACTIONS, ACTION_DIM), dtype=jnp.float32)
    action_type = jax.random.randint(k2, (BATCH,), 0, NUM_ACTIONS, dtype=jnp.int64 if jax.config.jax_enable_x64 else jnp.int32)
    return {"action_type": action_type, "action_embeddings": action_embeddings}


def reference(action_type, action_embeddings):
    # Faithful to: self.action_embeddings[action_idx]
    # Original module indexes the parameter table with the action index;
    # here the lookup is batched over a vector of action indices.
    return jnp.take(action_embeddings, action_type, axis=0)

if __name__ == "__main__":
    import jax
    _d = setup_inputs()
    print(jax.jit(kernel)(*tuple(_d.values())))

</pallas_src>

<mosaic_0001>
#map = affine_map<(d0, d1) -> (0)>
#map1 = affine_map<(d0, d1) -> (0, 0)>
module attributes {stable_mosaic.version = 14 : i64} {
  func.func @gather_kernel(%arg0: i32, %arg1: i32, %arg2: memref<16384xi32, #tpu.memory_space<hbm>>, %arg3: memref<64x256xf32, #tpu.memory_space<hbm>>, %arg4: memref<16384x256xf32, #tpu.memory_space<hbm>>, %arg5: memref<64x256xf32, #tpu.memory_space<vmem_shared>>, %arg6: memref<64x256xf32, #tpu.memory_space<vmem>>, %arg7: memref<512xi32, #tpu.memory_space<vmem>>, %arg8: memref<!tpu.dma_semaphore, #tpu.memory_space<semaphore_mem>>, %arg9: memref<!tpu.dma_semaphore, #tpu.memory_space<semaphore_mem>>) attributes {dimension_semantics = [#tpu.dimension_semantics<core_parallel>, #tpu.dimension_semantics<subcore_parallel>], iteration_bounds = array<i64: 2, 16>, scalar_prefetch = 0 : i64, scratch_operands = 5 : i64, tpu.core_type = #tpu.core_type<sc_vector_subcore>, window_params = [{transform_indices = #map}, {transform_indices = #map1}, {transform_indices = #map1}]} {
    %mul3A = arith.constant 2 : i32
    %mul3A_0 = arith.muli %arg1, %mul3A : i32
    %add3A = arith.addi %mul3A_0, %arg0 : i32
    %mul3A_1 = arith.constant 512 : i32
    %mul3A_2 = arith.muli %add3A, %mul3A_1 : i32
    %dma_start3A = tpu.memref_slice %arg2[%mul3A_2] : memref<16384xi32, #tpu.memory_space<hbm>> -> memref<512xi32, #tpu.memory_space<hbm>>
    %dma_start3A_3 = tpu.memref_slice %arg2[%mul3A_2] : memref<16384xi32, #tpu.memory_space<hbm>> -> memref<512xi32, #tpu.memory_space<hbm>>
    tpu.enqueue_dma source(%dma_start3A_3 : memref<512xi32, #tpu.memory_space<hbm>>) target(%arg7 : memref<512xi32, #tpu.memory_space<vmem>>) target_semaphore(%arg8 : memref<!tpu.dma_semaphore, #tpu.memory_space<semaphore_mem>>)
    %eq3A = arith.constant 0 : i32
    %eq3A_4 = arith.cmpi eq, %arg1, %eq3A : i32
    %convert_element_type3A = arith.extui %eq3A_4 : i1 to i32
    %cond3A = arith.constant 0 : i32
    %cond3A_5 = arith.cmpi ne, %convert_element_type3A, %cond3A : i32
    scf.if %cond3A_5 {
      tpu.enqueue_dma source(%arg3 : memref<64x256xf32, #tpu.memory_space<hbm>>) target(%arg5 : memref<64x256xf32, #tpu.memory_space<vmem_shared>>) target_semaphore(%arg8 : memref<!tpu.dma_semaphore, #tpu.memory_space<semaphore_mem>>)
      tpu.wait_dma2 semaphore(%arg8 : memref<!tpu.dma_semaphore, #tpu.memory_space<semaphore_mem>>) src(%arg3 : memref<64x256xf32, #tpu.memory_space<hbm>>) dst(%arg5 : memref<64x256xf32, #tpu.memory_space<vmem_shared>>)
    } else {
    }
    %barrier3A = arith.constant 0 : index
    tpu.barrier barrier_id(%barrier3A)
    tpu.enqueue_dma source(%arg5 : memref<64x256xf32, #tpu.memory_space<vmem_shared>>) target(%arg6 : memref<64x256xf32, #tpu.memory_space<vmem>>) target_semaphore(%arg8 : memref<!tpu.dma_semaphore, #tpu.memory_space<semaphore_mem>>)
    tpu.wait_dma2 semaphore(%arg8 : memref<!tpu.dma_semaphore, #tpu.memory_space<semaphore_mem>>) src(%arg5 : memref<64x256xf32, #tpu.memory_space<vmem_shared>>) dst(%arg6 : memref<64x256xf32, #tpu.memory_space<vmem>>)
    %dma_wait3A = tpu.memref_slice %arg2[%mul3A_2] : memref<16384xi32, #tpu.memory_space<hbm>> -> memref<512xi32, #tpu.memory_space<hbm>>
    %dma_wait3A_6 = tpu.memref_slice %arg2[%mul3A_2] : memref<16384xi32, #tpu.memory_space<hbm>> -> memref<512xi32, #tpu.memory_space<hbm>>
    tpu.wait_dma2 semaphore(%arg8 : memref<!tpu.dma_semaphore, #tpu.memory_space<semaphore_mem>>) src(%dma_wait3A_6 : memref<512xi32, #tpu.memory_space<hbm>>) dst(%arg7 : memref<512xi32, #tpu.memory_space<vmem>>)
    %scan3A = arith.constant 0 : i32
    %scan3A_7 = arith.constant 0 : i32
    %scan3A_8 = arith.constant 32 : i32
    %scan3A_9 = arith.addi %scan3A_7, %scan3A_8 : i32
    %scan3A_10 = arith.constant 1 : i32
    scf.for %scan3A_18 = %scan3A_7 to %scan3A_9 step %scan3A_10  : i32 {
      %mul3A_19 = arith.constant 16 : i32
      %mul3A_20 = arith.muli %scan3A_18, %mul3A_19 : i32
      %get3A = arith.index_cast %mul3A_20 : i32 to index
      %get3A_21 = tpu.vector_load %arg7[%get3A] {strides = array<i32>} : memref<512xi32, #tpu.memory_space<vmem>>, vector<16xi32>,
      %get3A_22 = vector.shape_cast %get3A_21 : vector<16xi32> to vector<16xi32>
      %slice3A = vector.extract_strided_slice %get3A_22 {offsets = [0], sizes = [1], strides = [1]} : vector<16xi32> to vector<1xi32>
      %squeeze3A = vector.extract %slice3A[0] : i32 from vector<1xi32>
      %mul3A_23 = arith.constant 16 : i32
      %mul3A_24 = arith.muli %scan3A_18, %mul3A_23 : i32
      %add3A_25 = arith.addi %mul3A_2, %mul3A_24 : i32
      %add3A_26 = arith.constant 0 : i32
      %add3A_27 = arith.addi %add3A_25, %add3A_26 : i32
      %dma_start3A_28 = arith.constant 0 : i32
      %dma_start3A_29 = tpu.memref_slice %arg6[%squeeze3A, %dma_start3A_28] : memref<64x256xf32, #tpu.memory_space<vmem>> -> memref<1x256xf32, #tpu.memory_space<vmem>>
      %dma_start3A_30 = tpu.memref_squeeze %dma_start3A_29 : memref<1x256xf32, #tpu.memory_space<vmem>> -> memref<256xf32, #tpu.memory_space<vmem>>
      %dma_start3A_31 = arith.constant 0 : i32
      %dma_start3A_32 = tpu.memref_slice %arg4[%add3A_27, %dma_start3A_31] : memref<16384x256xf32, #tpu.memory_space<hbm>> -> memref<1x256xf32, #tpu.memory_space<hbm>>
      %dma_start3A_33 = tpu.memref_squeeze %dma_start3A_32 : memref<1x256xf32, #tpu.memory_space<hbm>> -> memref<256xf32, #tpu.memory_space<hbm>>
      %dma_start3A_34 = arith.constant 0 : i32
      %dma_start3A_35 = tpu.memref_slice %arg4[%add3A_27, %dma_start3A_34] : memref<16384x256xf32, #tpu.memory_space<hbm>> -> memref<1x256xf32, #tpu.memory_space<hbm>>
      %dma_start3A_36 = tpu.memref_squeeze %dma_start3A_35 : memref<1x256xf32, #tpu.memory_space<hbm>> -> memref<256xf32, #tpu.memory_space<hbm>>
      %dma_start3A_37 = arith.constant 0 : i32
      %dma_start3A_38 = tpu.memref_slice %arg6[%squeeze3A, %dma_start3A_37] : memref<64x256xf32, #tpu.memory_space<vmem>> -> memref<1x256xf32, #tpu.memory_space<vmem>>
      %dma_start3A_39 = tpu.memref_squeeze %dma_start3A_38 : memref<1x256xf32, #tpu.memory_space<vmem>> -> memref<256xf32, #tpu.memory_space<vmem>>
      tpu.enqueue_dma source(%dma_start3A_39 : memref<256xf32, #tpu.memory_space<vmem>>) target(%dma_start3A_36 : memref<256xf32, #tpu.memory_space<hbm>>) target_semaphore(%arg9 : memref<!tpu.dma_semaphore, #tpu.memory_space<semaphore_mem>>)
      %slice3A_40 = vector.extract_strided_slice %get3A_22 {offsets = [1], sizes = [1], strides = [1]} : vector<16xi32> to vector<1xi32>
      %squeeze3A_41 = vector.extract %slice3A_40[0] : i32 from vector<1xi32>
      %mul3A_42 = arith.constant 16 : i32
      %mul3A_43 = arith.muli %scan3A_18, %mul3A_42 : i32
      %add3A_44 = arith.addi %mul3A_2, %mul3A_43 : i32
      %add3A_45 = arith.constant 1 : i32
      %add3A_46 = arith.addi %add3A_44, %add3A_45 : i32
      %dma_start3A_47 = arith.constant 0 : i32
      %dma_start3A_48 = tpu.memref_slice %arg6[%squeeze3A_41, %dma_start3A_47] : memref<64x256xf32, #tpu.memory_space<vmem>> -> memref<1x256xf32, #tpu.memory_space<vmem>>
      %dma_start3A_49 = tpu.memref_squeeze %dma_start3A_48 : memref<1x256xf32, #tpu.memory_space<vmem>> -> memref<256xf32, #tpu.memory_space<vmem>>
      %dma_start3A_50 = arith.constant 0 : i32
      %dma_start3A_51 = tpu.memref_slice %arg4[%add3A_46, %dma_start3A_50] : memref<16384x256xf32, #tpu.memory_space<hbm>> -> memref<1x256xf32, #tpu.memory_space<hbm>>
      %dma_start3A_52 = tpu.memref_squeeze %dma_start3A_51 : memref<1x256xf32, #tpu.memory_space<hbm>> -> memref<256xf32, #tpu.memory_space<hbm>>
      %dma_start3A_53 = arith.constant 0 : i32
      %dma_start3A_54 = tpu.memref_slice %arg4[%add3A_46, %dma_start3A_53] : memref<16384x256xf32, #tpu.memory_space<hbm>> -> memref<1x256xf32, #tpu.memory_space<hbm>>
      %dma_start3A_55 = tpu.memref_squeeze %dma_start3A_54 : memref<1x256xf32, #tpu.memory_space<hbm>> -> memref<256xf32, #tpu.memory_space<hbm>>
      %dma_start3A_56 = arith.constant 0 : i32
      %dma_start3A_57 = tpu.memref_slice %arg6[%squeeze3A_41, %dma_start3A_56] : memref<64x256xf32, #tpu.memory_space<vmem>> -> memref<1x256xf32, #tpu.memory_space<vmem>>
      %dma_start3A_58 = tpu.memref_squeeze %dma_start3A_57 : memref<1x256xf32, #tpu.memory_space<vmem>> -> memref<256xf32, #tpu.memory_space<vmem>>
      tpu.enqueue_dma source(%dma_start3A_58 : memref<256xf32, #tpu.memory_space<vmem>>) target(%dma_start3A_55 : memref<256xf32, #tpu.memory_space<hbm>>) target_semaphore(%arg9 : memref<!tpu.dma_semaphore, #tpu.memory_space<semaphore_mem>>)
      %slice3A_59 = vector.extract_strided_slice %get3A_22 {offsets = [2], sizes = [1], strides = [1]} : vector<16xi32> to vector<1xi32>
      %squeeze3A_60 = vector.extract %slice3A_59[0] : i32 from vector<1xi32>
      %mul3A_61 = arith.constant 16 : i32
      %mul3A_62 = arith.muli %scan3A_18, %mul3A_61 : i32
      %add3A_63 = arith.addi %mul3A_2, %mul3A_62 : i32
      %add3A_64 = arith.constant 2 : i32
      %add3A_65 = arith.addi %add3A_63, %add3A_64 : i32
      %dma_start3A_66 = arith.constant 0 : i32
      %dma_start3A_67 = tpu.memref_slice %arg6[%squeeze3A_60, %dma_start3A_66] : memref<64x256xf32, #tpu.memory_space<vmem>> -> memref<1x256xf32, #tpu.memory_space<vmem>>
      %dma_start3A_68 = tpu.memref_squeeze %dma_start3A_67 : memref<1x256xf32, #tpu.memory_space<vmem>> -> memref<256xf32, #tpu.memory_space<vmem>>
      %dma_start3A_69 = arith.constant 0 : i32
      %dma_start3A_70 = tpu.memref_slice %arg4[%add3A_65, %dma_start3A_69] : memref<16384x256xf32, #tpu.memory_space<hbm>> -> memref<1x256xf32, #tpu.memory_space<hbm>>
      %dma_start3A_71 = tpu.memref_squeeze %dma_start3A_70 : memref<1x256xf32, #tpu.memory_space<hbm>> -> memref<256xf32, #tpu.memory_space<hbm>>
      %dma_start3A_72 = arith.constant 0 : i32
      %dma_start3A_73 = tpu.memref_slice %arg4[%add3A_65, %dma_start3A_72] : memref<16384x256xf32, #tpu.memory_space<hbm>> -> memref<1x256xf32, #tpu.memory_space<hbm>>
      %dma_start3A_74 = tpu.memref_squeeze %dma_start3A_73 : memref<1x256xf32, #tpu.memory_space<hbm>> -> memref<256xf32, #tpu.memory_space<hbm>>
      %dma_start3A_75 = arith.constant 0 : i32
      %dma_start3A_76 = tpu.memref_slice %arg6[%squeeze3A_60, %dma_start3A_75] : memref<64x256xf32, #tpu.memory_space<vmem>> -> memref<1x256xf32, #tpu.memory_space<vmem>>
      %dma_start3A_77 = tpu.memref_squeeze %dma_start3A_76 : memref<1x256xf32, #tpu.memory_space<vmem>> -> memref<256xf32, #tpu.memory_space<vmem>>
      tpu.enqueue_dma source(%dma_start3A_77 : memref<256xf32, #tpu.memory_space<vmem>>) target(%dma_start3A_74 : memref<256xf32, #tpu.memory_space<hbm>>) target_semaphore(%arg9 : memref<!tpu.dma_semaphore, #tpu.memory_space<semaphore_mem>>)
      %slice3A_78 = vector.extract_strided_slice %get3A_22 {offsets = [3], sizes = [1], strides = [1]} : vector<16xi32> to vector<1xi32>
      %squeeze3A_79 = vector.extract %slice3A_78[0] : i32 from vector<1xi32>
      %mul3A_80 = arith.constant 16 : i32
      %mul3A_81 = arith.muli %scan3A_18, %mul3A_80 : i32
      %add3A_82 = arith.addi %mul3A_2, %mul3A_81 : i32
      %add3A_83 = arith.constant 3 : i32
      %add3A_84 = arith.addi %add3A_82, %add3A_83 : i32
      %dma_start3A_85 = arith.constant 0 : i32
      %dma_start3A_86 = tpu.memref_slice %arg6[%squeeze3A_79, %dma_start3A_85] : memref<64x256xf32, #tpu.memory_space<vmem>> -> memref<1x256xf32, #tpu.memory_space<vmem>>
      %dma_start3A_87 = tpu.memref_squeeze %dma_start3A_86 : memref<1x256xf32, #tpu.memory_space<vmem>> -> memref<256xf32, #tpu.memory_space<vmem>>
      %dma_start3A_88 = arith.constant 0 : i32
      %dma_start3A_89 = tpu.memref_slice %arg4[%add3A_84, %dma_start3A_88] : memref<16384x256xf32, #tpu.memory_space<hbm>> -> memref<1x256xf32, #tpu.memory_space<hbm>>
      %dma_start3A_90 = tpu.memref_squeeze %dma_start3A_89 : memref<1x256xf32, #tpu.memory_space<hbm>> -> memref<256xf32, #tpu.memory_space<hbm>>
      %dma_start3A_91 = arith.constant 0 : i32
      %dma_start3A_92 = tpu.memref_slice %arg4[%add3A_84, %dma_start3A_91] : memref<16384x256xf32, #tpu.memory_space<hbm>> -> memref<1x256xf32, #tpu.memory_space<hbm>>
      %dma_start3A_93 = tpu.memref_squeeze %dma_start3A_92 : memref<1x256xf32, #tpu.memory_space<hbm>> -> memref<256xf32, #tpu.memory_space<hbm>>
      %dma_start3A_94 = arith.constant 0 : i32
      %dma_start3A_95 = tpu.memref_slice %arg6[%squeeze3A_79, %dma_start3A_94] : memref<64x256xf32, #tpu.memory_space<vmem>> -> memref<1x256xf32, #tpu.memory_space<vmem>>
      %dma_start3A_96 = tpu.memref_squeeze %dma_start3A_95 : memref<1x256xf32, #tpu.memory_space<vmem>> -> memref<256xf32, #tpu.memory_space<vmem>>
      tpu.enqueue_dma source(%dma_start3A_96 : memref<256xf32, #tpu.memory_space<vmem>>) target(%dma_start3A_93 : memref<256xf32, #tpu.memory_space<hbm>>) target_semaphore(%arg9 : memref<!tpu.dma_semaphore, #tpu.memory_space<semaphore_mem>>)
      %slice3A_97 = vector.extract_strided_slice %get3A_22 {offsets = [4], sizes = [1], strides = [1]} : vector<16xi32> to vector<1xi32>
      %squeeze3A_98 = vector.extract %slice3A_97[0] : i32 from vector<1xi32>
      %mul3A_99 = arith.constant 16 : i32
      %mul3A_100 = arith.muli %scan3A_18, %mul3A_99 : i32
      %add3A_101 = arith.addi %mul3A_2, %mul3A_100 : i32
      %add3A_102 = arith.constant 4 : i32
      %add3A_103 = arith.addi %add3A_101, %add3A_102 : i32
      %dma_start3A_104 = arith.constant 0 : i32
      %dma_start3A_105 = tpu.memref_slice %arg6[%squeeze3A_98, %dma_start3A_104] : memref<64x256xf32, #tpu.memory_space<vmem>> -> memref<1x256xf32, #tpu.memory_space<vmem>>
      %dma_start3A_106 = tpu.memref_squeeze %dma_start3A_105 : memref<1x256xf32, #tpu.memory_space<vmem>> -> memref<256xf32, #tpu.memory_space<vmem>>
      %dma_start3A_107 = arith.constant 0 : i32
      %dma_start3A_108 = tpu.memref_slice %arg4[%add3A_103, %dma_start3A_107] : memref<16384x256xf32, #tpu.memory_space<hbm>> -> memref<1x256xf32, #tpu.memory_space<hbm>>
      %dma_start3A_109 = tpu.memref_squeeze %dma_start3A_108 : memref<1x256xf32, #tpu.memory_space<hbm>> -> memref<256xf32, #tpu.memory_space<hbm>>
      %dma_start3A_110 = arith.constant 0 : i32
      %dma_start3A_111 = tpu.memref_slice %arg4[%add3A_103, %dma_start3A_110] : memref<16384x256xf32, #tpu.memory_space<hbm>> -> memref<1x256xf32, #tpu.memory_space<hbm>>
      %dma_start3A_112 = tpu.memref_squeeze %dma_start3A_111 : memref<1x256xf32, #tpu.memory_space<hbm>> -> memref<256xf32, #tpu.memory_space<hbm>>
      %dma_start3A_113 = arith.constant 0 : i32
      %dma_start3A_114 = tpu.memref_slice %arg6[%squeeze3A_98, %dma_start3A_113] : memref<64x256xf32, #tpu.memory_space<vmem>> -> memref<1x256xf32, #tpu.memory_space<vmem>>
      %dma_start3A_115 = tpu.memref_squeeze %dma_start3A_114 : memref<1x256xf32, #tpu.memory_space<vmem>> -> memref<256xf32, #tpu.memory_space<vmem>>
      tpu.enqueue_dma source(%dma_start3A_115 : memref<256xf32, #tpu.memory_space<vmem>>) target(%dma_start3A_112 : memref<256xf32, #tpu.memory_space<hbm>>) target_semaphore(%arg9 : memref<!tpu.dma_semaphore, #tpu.memory_space<semaphore_mem>>)
      %slice3A_116 = vector.extract_strided_slice %get3A_22 {offsets = [5], sizes = [1], strides = [1]} : vector<16xi32> to vector<1xi32>
      %squeeze3A_117 = vector.extract %slice3A_116[0] : i32 from vector<1xi32>
      %mul3A_118 = arith.constant 16 : i32
      %mul3A_119 = arith.muli %scan3A_18, %mul3A_118 : i32
      %add3A_120 = arith.addi %mul3A_2, %mul3A_119 : i32
      %add3A_121 = arith.constant 5 : i32
      %add3A_122 = arith.addi %add3A_120, %add3A_121 : i32
      %dma_start3A_123 = arith.constant 0 : i32
      %dma_start3A_124 = tpu.memref_slice %arg6[%squeeze3A_117, %dma_start3A_123] : memref<64x256xf32, #tpu.memory_space<vmem>> -> memref<1x256xf32, #tpu.memory_space<vmem>>
      %dma_start3A_125 = tpu.memref_squeeze %dma_start3A_124 : memref<1x256xf32, #tpu.memory_space<vmem>> -> memref<256xf32, #tpu.memory_space<vmem>>
      %dma_start3A_126 = arith.constant 0 : i32
      %dma_start3A_127 = tpu.memref_slice %arg4[%add3A_122, %dma_start3A_126] : memref<16384x256xf32, #tpu.memory_space<hbm>> -> memref<1x256xf32, #tpu.memory_space<hbm>>
      %dma_start3A_128 = tpu.memref_squeeze %dma_start3A_127 : memref<1x256xf32, #tpu.memory_space<hbm>> -> memref<256xf32, #tpu.memory_space<hbm>>
      %dma_start3A_129 = arith.constant 0 : i32
      %dma_start3A_130 = tpu.memref_slice %arg4[%add3A_122, %dma_start3A_129] : memref<16384x256xf32, #tpu.memory_space<hbm>> -> memref<1x256xf32, #tpu.memory_space<hbm>>
      %dma_start3A_131 = tpu.memref_squeeze %dma_start3A_130 : memref<1x256xf32, #tpu.memory_space<hbm>> -> memref<256xf32, #tpu.memory_space<hbm>>
      %dma_start3A_132 = arith.constant 0 : i32
      %dma_start3A_133 = tpu.memref_slice %arg6[%squeeze3A_117, %dma_start3A_132] : memref<64x256xf32, #tpu.memory_space<vmem>> -> memref<1x256xf32, #tpu.memory_space<vmem>>
      %dma_start3A_134 = tpu.memref_squeeze %dma_start3A_133 : memref<1x256xf32, #tpu.memory_space<vmem>> -> memref<256xf32, #tpu.memory_space<vmem>>
      tpu.enqueue_dma source(%dma_start3A_134 : memref<256xf32, #tpu.memory_space<vmem>>) target(%dma_start3A_131 : memref<256xf32, #tpu.memory_space<hbm>>) target_semaphore(%arg9 : memref<!tpu.dma_semaphore, #tpu.memory_space<semaphore_mem>>)
      %slice3A_135 = vector.extract_strided_slice %get3A_22 {offsets = [6], sizes = [1], strides = [1]} : vector<16xi32> to vector<1xi32>
      %squeeze3A_136 = vector.extract %slice3A_135[0] : i32 from vector<1xi32>
      %mul3A_137 = arith.constant 16 : i32
      %mul3A_138 = arith.muli %scan3A_18, %mul3A_137 : i32
      %add3A_139 = arith.addi %mul3A_2, %mul3A_138 : i32
      %add3A_140 = arith.constant 6 : i32
      %add3A_141 = arith.addi %add3A_139, %add3A_140 : i32
      %dma_start3A_142 = arith.constant 0 : i32
      %dma_start3A_143 = tpu.memref_slice %arg6[%squeeze3A_136, %dma_start3A_142] : memref<64x256xf32, #tpu.memory_space<vmem>> -> memref<1x256xf32, #tpu.memory_space<vmem>>
      %dma_start3A_144 = tpu.memref_squeeze %dma_start3A_143 : memref<1x256xf32, #tpu.memory_space<vmem>> -> memref<256xf32, #tpu.memory_space<vmem>>
      %dma_start3A_145 = arith.constant 0 : i32
      %dma_start3A_146 = tpu.memref_slice %arg4[%add3A_141, %dma_start3A_145] : memref<16384x256xf32, #tpu.memory_space<hbm>> -> memref<1x256xf32, #tpu.memory_space<hbm>>
      %dma_start3A_147 = tpu.memref_squeeze %dma_start3A_146 : memref<1x256xf32, #tpu.memory_space<hbm>> -> memref<256xf32, #tpu.memory_space<hbm>>
      %dma_start3A_148 = arith.constant 0 : i32
      %dma_start3A_149 = tpu.memref_slice %arg4[%add3A_141, %dma_start3A_148] : memref<16384x256xf32, #tpu.memory_space<hbm>> -> memref<1x256xf32, #tpu.memory_space<hbm>>
      %dma_start3A_150 = tpu.memref_squeeze %dma_start3A_149 : memref<1x256xf32, #tpu.memory_space<hbm>> -> memref<256xf32, #tpu.memory_space<hbm>>
      %dma_start3A_151 = arith.constant 0 : i32
      %dma_start3A_152 = tpu.memref_slice %arg6[%squeeze3A_136, %dma_start3A_151] : memref<64x256xf32, #tpu.memory_space<vmem>> -> memref<1x256xf32, #tpu.memory_space<vmem>>
      %dma_start3A_153 = tpu.memref_squeeze %dma_start3A_152 : memref<1x256xf32, #tpu.memory_space<vmem>> -> memref<256xf32, #tpu.memory_space<vmem>>
      tpu.enqueue_dma source(%dma_start3A_153 : memref<256xf32, #tpu.memory_space<vmem>>) target(%dma_start3A_150 : memref<256xf32, #tpu.memory_space<hbm>>) target_semaphore(%arg9 : memref<!tpu.dma_semaphore, #tpu.memory_space<semaphore_mem>>)
      %slice3A_154 = vector.extract_strided_slice %get3A_22 {offsets = [7], sizes = [1], strides = [1]} : vector<16xi32> to vector<1xi32>
      %squeeze3A_155 = vector.extract %slice3A_154[0] : i32 from vector<1xi32>
      %mul3A_156 = arith.constant 16 : i32
      %mul3A_157 = arith.muli %scan3A_18, %mul3A_156 : i32
      %add3A_158 = arith.addi %mul3A_2, %mul3A_157 : i32
      %add3A_159 = arith.constant 7 : i32
      %add3A_160 = arith.addi %add3A_158, %add3A_159 : i32
      %dma_start3A_161 = arith.constant 0 : i32
      %dma_start3A_162 = tpu.memref_slice %arg6[%squeeze3A_155, %dma_start3A_161] : memref<64x256xf32, #tpu.memory_space<vmem>> -> memref<1x256xf32, #tpu.memory_space<vmem>>
      %dma_start3A_163 = tpu.memref_squeeze %dma_start3A_162 : memref<1x256xf32, #tpu.memory_space<vmem>> -> memref<256xf32, #tpu.memory_space<vmem>>
      %dma_start3A_164 = arith.constant 0 : i32
      %dma_start3A_165 = tpu.memref_slice %arg4[%add3A_160, %dma_start3A_164] : memref<16384x256xf32, #tpu.memory_space<hbm>> -> memref<1x256xf32, #tpu.memory_space<hbm>>
      %dma_start3A_166 = tpu.memref_squeeze %dma_start3A_165 : memref<1x256xf32, #tpu.memory_space<hbm>> -> memref<256xf32, #tpu.memory_space<hbm>>
      %dma_start3A_167 = arith.constant 0 : i32
      %dma_start3A_168 = tpu.memref_slice %arg4[%add3A_160, %dma_start3A_167] : memref<16384x256xf32, #tpu.memory_space<hbm>> -> memref<1x256xf32, #tpu.memory_space<hbm>>
      %dma_start3A_169 = tpu.memref_squeeze %dma_start3A_168 : memref<1x256xf32, #tpu.memory_space<hbm>> -> memref<256xf32, #tpu.memory_space<hbm>>
      %dma_start3A_170 = arith.constant 0 : i32
      %dma_start3A_171 = tpu.memref_slice %arg6[%squeeze3A_155, %dma_start3A_170] : memref<64x256xf32, #tpu.memory_space<vmem>> -> memref<1x256xf32, #tpu.memory_space<vmem>>
      %dma_start3A_172 = tpu.memref_squeeze %dma_start3A_171 : memref<1x256xf32, #tpu.memory_space<vmem>> -> memref<256xf32, #tpu.memory_space<vmem>>
      tpu.enqueue_dma source(%dma_start3A_172 : memref<256xf32, #tpu.memory_space<vmem>>) target(%dma_start3A_169 : memref<256xf32, #tpu.memory_space<hbm>>) target_semaphore(%arg9 : memref<!tpu.dma_semaphore, #tpu.memory_space<semaphore_mem>>)
      %slice3A_173 = vector.extract_strided_slice %get3A_22 {offsets = [8], sizes = [1], strides = [1]} : vector<16xi32> to vector<1xi32>
      %squeeze3A_174 = vector.extract %slice3A_173[0] : i32 from vector<1xi32>
      %mul3A_175 = arith.constant 16 : i32
      %mul3A_176 = arith.muli %scan3A_18, %mul3A_175 : i32
      %add3A_177 = arith.addi %mul3A_2, %mul3A_176 : i32
      %add3A_178 = arith.constant 8 : i32
      %add3A_179 = arith.addi %add3A_177, %add3A_178 : i32
      %dma_start3A_180 = arith.constant 0 : i32
      %dma_start3A_181 = tpu.memref_slice %arg6[%squeeze3A_174, %dma_start3A_180] : memref<64x256xf32, #tpu.memory_space<vmem>> -> memref<1x256xf32, #tpu.memory_space<vmem>>
      %dma_start3A_182 = tpu.memref_squeeze %dma_start3A_181 : memref<1x256xf32, #tpu.memory_space<vmem>> -> memref<256xf32, #tpu.memory_space<vmem>>
      %dma_start3A_183 = arith.constant 0 : i32
      %dma_start3A_184 = tpu.memref_slice %arg4[%add3A_179, %dma_start3A_183] : memref<16384x256xf32, #tpu.memory_space<hbm>> -> memref<1x256xf32, #tpu.memory_space<hbm>>
      %dma_start3A_185 = tpu.memref_squeeze %dma_start3A_184 : memref<1x256xf32, #tpu.memory_space<hbm>> -> memref<256xf32, #tpu.memory_space<hbm>>
      %dma_start3A_186 = arith.constant 0 : i32
      %dma_start3A_187 = tpu.memref_slice %arg4[%add3A_179, %dma_start3A_186] : memref<16384x256xf32, #tpu.memory_space<hbm>> -> memref<1x256xf32, #tpu.memory_space<hbm>>
      %dma_start3A_188 = tpu.memref_squeeze %dma_start3A_187 : memref<1x256xf32, #tpu.memory_space<hbm>> -> memref<256xf32, #tpu.memory_space<hbm>>
      %dma_start3A_189 = arith.constant 0 : i32
      %dma_start3A_190 = tpu.memref_slice %arg6[%squeeze3A_174, %dma_start3A_189] : memref<64x256xf32, #tpu.memory_space<vmem>> -> memref<1x256xf32, #tpu.memory_space<vmem>>
      %dma_start3A_191 = tpu.memref_squeeze %dma_start3A_190 : memref<1x256xf32, #tpu.memory_space<vmem>> -> memref<256xf32, #tpu.memory_space<vmem>>
      tpu.enqueue_dma source(%dma_start3A_191 : memref<256xf32, #tpu.memory_space<vmem>>) target(%dma_start3A_188 : memref<256xf32, #tpu.memory_space<hbm>>) target_semaphore(%arg9 : memref<!tpu.dma_semaphore, #tpu.memory_space<semaphore_mem>>)
      %slice3A_192 = vector.extract_strided_slice %get3A_22 {offsets = [9], sizes = [1], strides = [1]} : vector<16xi32> to vector<1xi32>
      %squeeze3A_193 = vector.extract %slice3A_192[0] : i32 from vector<1xi32>
      %mul3A_194 = arith.constant 16 : i32
      %mul3A_195 = arith.muli %scan3A_18, %mul3A_194 : i32
      %add3A_196 = arith.addi %mul3A_2, %mul3A_195 : i32
      %add3A_197 = arith.constant 9 : i32
      %add3A_198 = arith.addi %add3A_196, %add3A_197 : i32
      %dma_start3A_199 = arith.constant 0 : i32
      %dma_start3A_200 = tpu.memref_slice %arg6[%squeeze3A_193, %dma_start3A_199] : memref<64x256xf32, #tpu.memory_space<vmem>> -> memref<1x256xf32, #tpu.memory_space<vmem>>
      %dma_start3A_201 = tpu.memref_squeeze %dma_start3A_200 : memref<1x256xf32, #tpu.memory_space<vmem>> -> memref<256xf32, #tpu.memory_space<vmem>>
      %dma_start3A_202 = arith.constant 0 : i32
      %dma_start3A_203 = tpu.memref_slice %arg4[%add3A_198, %dma_start3A_202] : memref<16384x256xf32, #tpu.memory_space<hbm>> -> memref<1x256xf32, #tpu.memory_space<hbm>>
      %dma_start3A_204 = tpu.memref_squeeze %dma_start3A_203 : memref<1x256xf32, #tpu.memory_space<hbm>> -> memref<256xf32, #tpu.memory_space<hbm>>
      %dma_start3A_205 = arith.constant 0 : i32
      %dma_start3A_206 = tpu.memref_slice %arg4[%add3A_198, %dma_start3A_205] : memref<16384x256xf32, #tpu.memory_space<hbm>> -> memref<1x256xf32, #tpu.memory_space<hbm>>
      %dma_start3A_207 = tpu.memref_squeeze %dma_start3A_206 : memref<1x256xf32, #tpu.memory_space<hbm>> -> memref<256xf32, #tpu.memory_space<hbm>>
      %dma_start3A_208 = arith.constant 0 : i32
      %dma_start3A_209 = tpu.memref_slice %arg6[%squeeze3A_193, %dma_start3A_208] : memref<64x256xf32, #tpu.memory_space<vmem>> -> memref<1x256xf32, #tpu.memory_space<vmem>>
      %dma_start3A_210 = tpu.memref_squeeze %dma_start3A_209 : memref<1x256xf32, #tpu.memory_space<vmem>> -> memref<256xf32, #tpu.memory_space<vmem>>
      tpu.enqueue_dma source(%dma_start3A_210 : memref<256xf32, #tpu.memory_space<vmem>>) target(%dma_start3A_207 : memref<256xf32, #tpu.memory_space<hbm>>) target_semaphore(%arg9 : memref<!tpu.dma_semaphore, #tpu.memory_space<semaphore_mem>>)
      %slice3A_211 = vector.extract_strided_slice %get3A_22 {offsets = [10], sizes = [1], strides = [1]} : vector<16xi32> to vector<1xi32>
      %squeeze3A_212 = vector.extract %slice3A_211[0] : i32 from vector<1xi32>
      %mul3A_213 = arith.constant 16 : i32
      %mul3A_214 = arith.muli %scan3A_18, %mul3A_213 : i32
      %add3A_215 = arith.addi %mul3A_2, %mul3A_214 : i32
      %add3A_216 = arith.constant 10 : i32
      %add3A_217 = arith.addi %add3A_215, %add3A_216 : i32
      %dma_start3A_218 = arith.constant 0 : i32
      %dma_start3A_219 = tpu.memref_slice %arg6[%squeeze3A_212, %dma_start3A_218] : memref<64x256xf32, #tpu.memory_space<vmem>> -> memref<1x256xf32, #tpu.memory_space<vmem>>
      %dma_start3A_220 = tpu.memref_squeeze %dma_start3A_219 : memref<1x256xf32, #tpu.memory_space<vmem>> -> memref<256xf32, #tpu.memory_space<vmem>>
      %dma_start3A_221 = arith.constant 0 : i32
      %dma_start3A_222 = tpu.memref_slice %arg4[%add3A_217, %dma_start3A_221] : memref<16384x256xf32, #tpu.memory_space<hbm>> -> memref<1x256xf32, #tpu.memory_space<hbm>>
      %dma_start3A_223 = tpu.memref_squeeze %dma_start3A_222 : memref<1x256xf32, #tpu.memory_space<hbm>> -> memref<256xf32, #tpu.memory_space<hbm>>
      %dma_start3A_224 = arith.constant 0 : i32
      %dma_start3A_225 = tpu.memref_slice %arg4[%add3A_217, %dma_start3A_224] : memref<16384x256xf32, #tpu.memory_space<hbm>> -> memref<1x256xf32, #tpu.memory_space<hbm>>
      %dma_start3A_226 = tpu.memref_squeeze %dma_start3A_225 : memref<1x256xf32, #tpu.memory_space<hbm>> -> memref<256xf32, #tpu.memory_space<hbm>>
      %dma_start3A_227 = arith.constant 0 : i32
      %dma_start3A_228 = tpu.memref_slice %arg6[%squeeze3A_212, %dma_start3A_227] : memref<64x256xf32, #tpu.memory_space<vmem>> -> memref<1x256xf32, #tpu.memory_space<vmem>>
      %dma_start3A_229 = tpu.memref_squeeze %dma_start3A_228 : memref<1x256xf32, #tpu.memory_space<vmem>> -> memref<256xf32, #tpu.memory_space<vmem>>
      tpu.enqueue_dma source(%dma_start3A_229 : memref<256xf32, #tpu.memory_space<vmem>>) target(%dma_start3A_226 : memref<256xf32, #tpu.memory_space<hbm>>) target_semaphore(%arg9 : memref<!tpu.dma_semaphore, #tpu.memory_space<semaphore_mem>>)
      %slice3A_230 = vector.extract_strided_slice %get3A_22 {offsets = [11], sizes = [1], strides = [1]} : vector<16xi32> to vector<1xi32>
      %squeeze3A_231 = vector.extract %slice3A_230[0] : i32 from vector<1xi32>
      %mul3A_232 = arith.constant 16 : i32
      %mul3A_233 = arith.muli %scan3A_18, %mul3A_232 : i32
      %add3A_234 = arith.addi %mul3A_2, %mul3A_233 : i32
      %add3A_235 = arith.constant 11 : i32
      %add3A_236 = arith.addi %add3A_234, %add3A_235 : i32
      %dma_start3A_237 = arith.constant 0 : i32
      %dma_start3A_238 = tpu.memref_slice %arg6[%squeeze3A_231, %dma_start3A_237] : memref<64x256xf32, #tpu.memory_space<vmem>> -> memref<1x256xf32, #tpu.memory_space<vmem>>
      %dma_start3A_239 = tpu.memref_squeeze %dma_start3A_238 : memref<1x256xf32, #tpu.memory_space<vmem>> -> memref<256xf32, #tpu.memory_space<vmem>>
      %dma_start3A_240 = arith.constant 0 : i32
      %dma_start3A_241 = tpu.memref_slice %arg4[%add3A_236, %dma_start3A_240] : memref<16384x256xf32, #tpu.memory_space<hbm>> -> memref<1x256xf32, #tpu.memory_space<hbm>>
      %dma_start3A_242 = tpu.memref_squeeze %dma_start3A_241 : memref<1x256xf32, #tpu.memory_space<hbm>> -> memref<256xf32, #tpu.memory_space<hbm>>
      %dma_start3A_243 = arith.constant 0 : i32
      %dma_start3A_244 = tpu.memref_slice %arg4[%add3A_236, %dma_start3A_243] : memref<16384x256xf32, #tpu.memory_space<hbm>> -> memref<1x256xf32, #tpu.memory_space<hbm>>
      %dma_start3A_245 = tpu.memref_squeeze %dma_start3A_244 : memref<1x256xf32, #tpu.memory_space<hbm>> -> memref<256xf32, #tpu.memory_space<hbm>>
      %dma_start3A_246 = arith.constant 0 : i32
      %dma_start3A_247 = tpu.memref_slice %arg6[%squeeze3A_231, %dma_start3A_246] : memref<64x256xf32, #tpu.memory_space<vmem>> -> memref<1x256xf32, #tpu.memory_space<vmem>>
      %dma_start3A_248 = tpu.memref_squeeze %dma_start3A_247 : memref<1x256xf32, #tpu.memory_space<vmem>> -> memref<256xf32, #tpu.memory_space<vmem>>
      tpu.enqueue_dma source(%dma_start3A_248 : memref<256xf32, #tpu.memory_space<vmem>>) target(%dma_start3A_245 : memref<256xf32, #tpu.memory_space<hbm>>) target_semaphore(%arg9 : memref<!tpu.dma_semaphore, #tpu.memory_space<semaphore_mem>>)
      %slice3A_249 = vector.extract_strided_slice %get3A_22 {offsets = [12], sizes = [1], strides = [1]} : vector<16xi32> to vector<1xi32>
      %squeeze3A_250 = vector.extract %slice3A_249[0] : i32 from vector<1xi32>
      %mul3A_251 = arith.constant 16 : i32
      %mul3A_252 = arith.muli %scan3A_18, %mul3A_251 : i32
      %add3A_253 = arith.addi %mul3A_2, %mul3A_252 : i32
      %add3A_254 = arith.constant 12 : i32
      %add3A_255 = arith.addi %add3A_253, %add3A_254 : i32
      %dma_start3A_256 = arith.constant 0 : i32
      %dma_start3A_257 = tpu.memref_slice %arg6[%squeeze3A_250, %dma_start3A_256] : memref<64x256xf32, #tpu.memory_space<vmem>> -> memref<1x256xf32, #tpu.memory_space<vmem>>
      %dma_start3A_258 = tpu.memref_squeeze %dma_start3A_257 : memref<1x256xf32, #tpu.memory_space<vmem>> -> memref<256xf32, #tpu.memory_space<vmem>>
      %dma_start3A_259 = arith.constant 0 : i32
      %dma_start3A_260 = tpu.memref_slice %arg4[%add3A_255, %dma_start3A_259] : memref<16384x256xf32, #tpu.memory_space<hbm>> -> memref<1x256xf32, #tpu.memory_space<hbm>>
      %dma_start3A_261 = tpu.memref_squeeze %dma_start3A_260 : memref<1x256xf32, #tpu.memory_space<hbm>> -> memref<256xf32, #tpu.memory_space<hbm>>
      %dma_start3A_262 = arith.constant 0 : i32
      %dma_start3A_263 = tpu.memref_slice %arg4[%add3A_255, %dma_start3A_262] : memref<16384x256xf32, #tpu.memory_space<hbm>> -> memref<1x256xf32, #tpu.memory_space<hbm>>
      %dma_start3A_264 = tpu.memref_squeeze %dma_start3A_263 : memref<1x256xf32, #tpu.memory_space<hbm>> -> memref<256xf32, #tpu.memory_space<hbm>>
      %dma_start3A_265 = arith.constant 0 : i32
      %dma_start3A_266 = tpu.memref_slice %arg6[%squeeze3A_250, %dma_start3A_265] : memref<64x256xf32, #tpu.memory_space<vmem>> -> memref<1x256xf32, #tpu.memory_space<vmem>>
      %dma_start3A_267 = tpu.memref_squeeze %dma_start3A_266 : memref<1x256xf32, #tpu.memory_space<vmem>> -> memref<256xf32, #tpu.memory_space<vmem>>
      tpu.enqueue_dma source(%dma_start3A_267 : memref<256xf32, #tpu.memory_space<vmem>>) target(%dma_start3A_264 : memref<256xf32, #tpu.memory_space<hbm>>) target_semaphore(%arg9 : memref<!tpu.dma_semaphore, #tpu.memory_space<semaphore_mem>>)
      %slice3A_268 = vector.extract_strided_slice %get3A_22 {offsets = [13], sizes = [1], strides = [1]} : vector<16xi32> to vector<1xi32>
      %squeeze3A_269 = vector.extract %slice3A_268[0] : i32 from vector<1xi32>
      %mul3A_270 = arith.constant 16 : i32
      %mul3A_271 = arith.muli %scan3A_18, %mul3A_270 : i32
      %add3A_272 = arith.addi %mul3A_2, %mul3A_271 : i32
      %add3A_273 = arith.constant 13 : i32
      %add3A_274 = arith.addi %add3A_272, %add3A_273 : i32
      %dma_start3A_275 = arith.constant 0 : i32
      %dma_start3A_276 = tpu.memref_slice %arg6[%squeeze3A_269, %dma_start3A_275] : memref<64x256xf32, #tpu.memory_space<vmem>> -> memref<1x256xf32, #tpu.memory_space<vmem>>
      %dma_start3A_277 = tpu.memref_squeeze %dma_start3A_276 : memref<1x256xf32, #tpu.memory_space<vmem>> -> memref<256xf32, #tpu.memory_space<vmem>>
      %dma_start3A_278 = arith.constant 0 : i32
      %dma_start3A_279 = tpu.memref_slice %arg4[%add3A_274, %dma_start3A_278] : memref<16384x256xf32, #tpu.memory_space<hbm>> -> memref<1x256xf32, #tpu.memory_space<hbm>>
      %dma_start3A_280 = tpu.memref_squeeze %dma_start3A_279 : memref<1x256xf32, #tpu.memory_space<hbm>> -> memref<256xf32, #tpu.memory_space<hbm>>
      %dma_start3A_281 = arith.constant 0 : i32
      %dma_start3A_282 = tpu.memref_slice %arg4[%add3A_274, %dma_start3A_281] : memref<16384x256xf32, #tpu.memory_space<hbm>> -> memref<1x256xf32, #tpu.memory_space<hbm>>
      %dma_start3A_283 = tpu.memref_squeeze %dma_start3A_282 : memref<1x256xf32, #tpu.memory_space<hbm>> -> memref<256xf32, #tpu.memory_space<hbm>>
      %dma_start3A_284 = arith.constant 0 : i32
      %dma_start3A_285 = tpu.memref_slice %arg6[%squeeze3A_269, %dma_start3A_284] : memref<64x256xf32, #tpu.memory_space<vmem>> -> memref<1x256xf32, #tpu.memory_space<vmem>>
      %dma_start3A_286 = tpu.memref_squeeze %dma_start3A_285 : memref<1x256xf32, #tpu.memory_space<vmem>> -> memref<256xf32, #tpu.memory_space<vmem>>
      tpu.enqueue_dma source(%dma_start3A_286 : memref<256xf32, #tpu.memory_space<vmem>>) target(%dma_start3A_283 : memref<256xf32, #tpu.memory_space<hbm>>) target_semaphore(%arg9 : memref<!tpu.dma_semaphore, #tpu.memory_space<semaphore_mem>>)
      %slice3A_287 = vector.extract_strided_slice %get3A_22 {offsets = [14], sizes = [1], strides = [1]} : vector<16xi32> to vector<1xi32>
      %squeeze3A_288 = vector.extract %slice3A_287[0] : i32 from vector<1xi32>
      %mul3A_289 = arith.constant 16 : i32
      %mul3A_290 = arith.muli %scan3A_18, %mul3A_289 : i32
      %add3A_291 = arith.addi %mul3A_2, %mul3A_290 : i32
      %add3A_292 = arith.constant 14 : i32
      %add3A_293 = arith.addi %add3A_291, %add3A_292 : i32
      %dma_start3A_294 = arith.constant 0 : i32
      %dma_start3A_295 = tpu.memref_slice %arg6[%squeeze3A_288, %dma_start3A_294] : memref<64x256xf32, #tpu.memory_space<vmem>> -> memref<1x256xf32, #tpu.memory_space<vmem>>
      %dma_start3A_296 = tpu.memref_squeeze %dma_start3A_295 : memref<1x256xf32, #tpu.memory_space<vmem>> -> memref<256xf32, #tpu.memory_space<vmem>>
      %dma_start3A_297 = arith.constant 0 : i32
      %dma_start3A_298 = tpu.memref_slice %arg4[%add3A_293, %dma_start3A_297] : memref<16384x256xf32, #tpu.memory_space<hbm>> -> memref<1x256xf32, #tpu.memory_space<hbm>>
      %dma_start3A_299 = tpu.memref_squeeze %dma_start3A_298 : memref<1x256xf32, #tpu.memory_space<hbm>> -> memref<256xf32, #tpu.memory_space<hbm>>
      %dma_start3A_300 = arith.constant 0 : i32
      %dma_start3A_301 = tpu.memref_slice %arg4[%add3A_293, %dma_start3A_300] : memref<16384x256xf32, #tpu.memory_space<hbm>> -> memref<1x256xf32, #tpu.memory_space<hbm>>
      %dma_start3A_302 = tpu.memref_squeeze %dma_start3A_301 : memref<1x256xf32, #tpu.memory_space<hbm>> -> memref<256xf32, #tpu.memory_space<hbm>>
      %dma_start3A_303 = arith.constant 0 : i32
      %dma_start3A_304 = tpu.memref_slice %arg6[%squeeze3A_288, %dma_start3A_303] : memref<64x256xf32, #tpu.memory_space<vmem>> -> memref<1x256xf32, #tpu.memory_space<vmem>>
      %dma_start3A_305 = tpu.memref_squeeze %dma_start3A_304 : memref<1x256xf32, #tpu.memory_space<vmem>> -> memref<256xf32, #tpu.memory_space<vmem>>
      tpu.enqueue_dma source(%dma_start3A_305 : memref<256xf32, #tpu.memory_space<vmem>>) target(%dma_start3A_302 : memref<256xf32, #tpu.memory_space<hbm>>) target_semaphore(%arg9 : memref<!tpu.dma_semaphore, #tpu.memory_space<semaphore_mem>>)
      %slice3A_306 = vector.extract_strided_slice %get3A_22 {offsets = [15], sizes = [1], strides = [1]} : vector<16xi32> to vector<1xi32>
      %squeeze3A_307 = vector.extract %slice3A_306[0] : i32 from vector<1xi32>
      %mul3A_308 = arith.constant 16 : i32
      %mul3A_309 = arith.muli %scan3A_18, %mul3A_308 : i32
      %add3A_310 = arith.addi %mul3A_2, %mul3A_309 : i32
      %add3A_311 = arith.constant 15 : i32
      %add3A_312 = arith.addi %add3A_310, %add3A_311 : i32
      %dma_start3A_313 = arith.constant 0 : i32
      %dma_start3A_314 = tpu.memref_slice %arg6[%squeeze3A_307, %dma_start3A_313] : memref<64x256xf32, #tpu.memory_space<vmem>> -> memref<1x256xf32, #tpu.memory_space<vmem>>
      %dma_start3A_315 = tpu.memref_squeeze %dma_start3A_314 : memref<1x256xf32, #tpu.memory_space<vmem>> -> memref<256xf32, #tpu.memory_space<vmem>>
      %dma_start3A_316 = arith.constant 0 : i32
      %dma_start3A_317 = tpu.memref_slice %arg4[%add3A_312, %dma_start3A_316] : memref<16384x256xf32, #tpu.memory_space<hbm>> -> memref<1x256xf32, #tpu.memory_space<hbm>>
      %dma_start3A_318 = tpu.memref_squeeze %dma_start3A_317 : memref<1x256xf32, #tpu.memory_space<hbm>> -> memref<256xf32, #tpu.memory_space<hbm>>
      %dma_start3A_319 = arith.constant 0 : i32
      %dma_start3A_320 = tpu.memref_slice %arg4[%add3A_312, %dma_start3A_319] : memref<16384x256xf32, #tpu.memory_space<hbm>> -> memref<1x256xf32, #tpu.memory_space<hbm>>
      %dma_start3A_321 = tpu.memref_squeeze %dma_start3A_320 : memref<1x256xf32, #tpu.memory_space<hbm>> -> memref<256xf32, #tpu.memory_space<hbm>>
      %dma_start3A_322 = arith.constant 0 : i32
      %dma_start3A_323 = tpu.memref_slice %arg6[%squeeze3A_307, %dma_start3A_322] : memref<64x256xf32, #tpu.memory_space<vmem>> -> memref<1x256xf32, #tpu.memory_space<vmem>>
      %dma_start3A_324 = tpu.memref_squeeze %dma_start3A_323 : memref<1x256xf32, #tpu.memory_space<vmem>> -> memref<256xf32, #tpu.memory_space<vmem>>
      tpu.enqueue_dma source(%dma_start3A_324 : memref<256xf32, #tpu.memory_space<vmem>>) target(%dma_start3A_321 : memref<256xf32, #tpu.memory_space<hbm>>) target_semaphore(%arg9 : memref<!tpu.dma_semaphore, #tpu.memory_space<semaphore_mem>>)
    }
    %scan3A_11 = arith.constant 32 : i32
    %scan3A_12 = arith.constant 0 : i32
    %scan3A_13 = arith.constant 0 : i32
    %scan3A_14 = arith.constant 32 : i32
    %scan3A_15 = arith.addi %scan3A_13, %scan3A_14 : i32
    %scan3A_16 = arith.constant 1 : i32
    scf.for %scan3A_18 = %scan3A_13 to %scan3A_15 step %scan3A_16  : i32 {
      %dma_wait3A_19 = arith.constant 0 : i32
      %dma_wait3A_20 = arith.constant 0 : i32
      %dma_wait3A_21 = tpu.memref_slice %arg6[%dma_wait3A_19, %dma_wait3A_20] : memref<64x256xf32, #tpu.memory_space<vmem>> -> memref<1x256xf32, #tpu.memory_space<vmem>>
      %dma_wait3A_22 = tpu.memref_squeeze %dma_wait3A_21 : memref<1x256xf32, #tpu.memory_space<vmem>> -> memref<256xf32, #tpu.memory_space<vmem>>
      %dma_wait3A_23 = arith.constant 0 : i32
      %dma_wait3A_24 = tpu.memref_slice %arg4[%mul3A_2, %dma_wait3A_23] : memref<16384x256xf32, #tpu.memory_space<hbm>> -> memref<1x256xf32, #tpu.memory_space<hbm>>
      %dma_wait3A_25 = tpu.memref_squeeze %dma_wait3A_24 : memref<1x256xf32, #tpu.memory_space<hbm>> -> memref<256xf32, #tpu.memory_space<hbm>>
      %dma_wait3A_26 = arith.constant 0 : i32
      %dma_wait3A_27 = tpu.memref_slice %arg4[%mul3A_2, %dma_wait3A_26] : memref<16384x256xf32, #tpu.memory_space<hbm>> -> memref<1x256xf32, #tpu.memory_space<hbm>>
      %dma_wait3A_28 = tpu.memref_squeeze %dma_wait3A_27 : memref<1x256xf32, #tpu.memory_space<hbm>> -> memref<256xf32, #tpu.memory_space<hbm>>
      %dma_wait3A_29 = arith.constant 0 : i32
      %dma_wait3A_30 = tpu.memref_slice %arg6[%dma_wait3A_19, %dma_wait3A_29] : memref<64x256xf32, #tpu.memory_space<vmem>> -> memref<1x256xf32, #tpu.memory_space<vmem>>
      %dma_wait3A_31 = tpu.memref_squeeze %dma_wait3A_30 : memref<1x256xf32, #tpu.memory_space<vmem>> -> memref<256xf32, #tpu.memory_space<vmem>>
      tpu.wait_dma2 semaphore(%arg9 : memref<!tpu.dma_semaphore, #tpu.memory_space<semaphore_mem>>) src(%dma_wait3A_31 : memref<256xf32, #tpu.memory_space<vmem>>) dst(%dma_wait3A_28 : memref<256xf32, #tpu.memory_space<hbm>>)
      %dma_wait3A_32 = arith.constant 0 : i32
      %dma_wait3A_33 = arith.constant 0 : i32
      %dma_wait3A_34 = tpu.memref_slice %arg6[%dma_wait3A_32, %dma_wait3A_33] : memref<64x256xf32, #tpu.memory_space<vmem>> -> memref<1x256xf32, #tpu.memory_space<vmem>>
      %dma_wait3A_35 = tpu.memref_squeeze %dma_wait3A_34 : memref<1x256xf32, #tpu.memory_space<vmem>> -> memref<256xf32, #tpu.memory_space<vmem>>
      %dma_wait3A_36 = arith.constant 0 : i32
      %dma_wait3A_37 = tpu.memref_slice %arg4[%mul3A_2, %dma_wait3A_36] : memref<16384x256xf32, #tpu.memory_space<hbm>> -> memref<1x256xf32, #tpu.memory_space<hbm>>
      %dma_wait3A_38 = tpu.memref_squeeze %dma_wait3A_37 : memref<1x256xf32, #tpu.memory_space<hbm>> -> memref<256xf32, #tpu.memory_space<hbm>>
      %dma_wait3A_39 = arith.constant 0 : i32
      %dma_wait3A_40 = tpu.memref_slice %arg4[%mul3A_2, %dma_wait3A_39] : memref<16384x256xf32, #tpu.memory_space<hbm>> -> memref<1x256xf32, #tpu.memory_space<hbm>>
      %dma_wait3A_41 = tpu.memref_squeeze %dma_wait3A_40 : memref<1x256xf32, #tpu.memory_space<hbm>> -> memref<256xf32, #tpu.memory_space<hbm>>
      %dma_wait3A_42 = arith.constant 0 : i32
      %dma_wait3A_43 = tpu.memref_slice %arg6[%dma_wait3A_32, %dma_wait3A_42] : memref<64x256xf32, #tpu.memory_space<vmem>> -> memref<1x256xf32, #tpu.memory_space<vmem>>
      %dma_wait3A_44 = tpu.memref_squeeze %dma_wait3A_43 : memref<1x256xf32, #tpu.memory_space<vmem>> -> memref<256xf32, #tpu.memory_space<vmem>>
      tpu.wait_dma2 semaphore(%arg9 : memref<!tpu.dma_semaphore, #tpu.memory_space<semaphore_mem>>) src(%dma_wait3A_44 : memref<256xf32, #tpu.memory_space<vmem>>) dst(%dma_wait3A_41 : memref<256xf32, #tpu.memory_space<hbm>>)
      %dma_wait3A_45 = arith.constant 0 : i32
      %dma_wait3A_46 = arith.constant 0 : i32
      %dma_wait3A_47 = tpu.memref_slice %arg6[%dma_wait3A_45, %dma_wait3A_46] : memref<64x256xf32, #tpu.memory_space<vmem>> -> memref<1x256xf32, #tpu.memory_space<vmem>>
      %dma_wait3A_48 = tpu.memref_squeeze %dma_wait3A_47 : memref<1x256xf32, #tpu.memory_space<vmem>> -> memref<256xf32, #tpu.memory_space<vmem>>
      %dma_wait3A_49 = arith.constant 0 : i32
      %dma_wait3A_50 = tpu.memref_slice %arg4[%mul3A_2, %dma_wait3A_49] : memref<16384x256xf32, #tpu.memory_space<hbm>> -> memref<1x256xf32, #tpu.memory_space<hbm>>
      %dma_wait3A_51 = tpu.memref_squeeze %dma_wait3A_50 : memref<1x256xf32, #tpu.memory_space<hbm>> -> memref<256xf32, #tpu.memory_space<hbm>>
      %dma_wait3A_52 = arith.constant 0 : i32
      %dma_wait3A_53 = tpu.memref_slice %arg4[%mul3A_2, %dma_wait3A_52] : memref<16384x256xf32, #tpu.memory_space<hbm>> -> memref<1x256xf32, #tpu.memory_space<hbm>>
      %dma_wait3A_54 = tpu.memref_squeeze %dma_wait3A_53 : memref<1x256xf32, #tpu.memory_space<hbm>> -> memref<256xf32, #tpu.memory_space<hbm>>
      %dma_wait3A_55 = arith.constant 0 : i32
      %dma_wait3A_56 = tpu.memref_slice %arg6[%dma_wait3A_45, %dma_wait3A_55] : memref<64x256xf32, #tpu.memory_space<vmem>> -> memref<1x256xf32, #tpu.memory_space<vmem>>
      %dma_wait3A_57 = tpu.memref_squeeze %dma_wait3A_56 : memref<1x256xf32, #tpu.memory_space<vmem>> -> memref<256xf32, #tpu.memory_space<vmem>>
      tpu.wait_dma2 semaphore(%arg9 : memref<!tpu.dma_semaphore, #tpu.memory_space<semaphore_mem>>) src(%dma_wait3A_57 : memref<256xf32, #tpu.memory_space<vmem>>) dst(%dma_wait3A_54 : memref<256xf32, #tpu.memory_space<hbm>>)
      %dma_wait3A_58 = arith.constant 0 : i32
      %dma_wait3A_59 = arith.constant 0 : i32
      %dma_wait3A_60 = tpu.memref_slice %arg6[%dma_wait3A_58, %dma_wait3A_59] : memref<64x256xf32, #tpu.memory_space<vmem>> -> memref<1x256xf32, #tpu.memory_space<vmem>>
      %dma_wait3A_61 = tpu.memref_squeeze %dma_wait3A_60 : memref<1x256xf32, #tpu.memory_space<vmem>> -> memref<256xf32, #tpu.memory_space<vmem>>
      %dma_wait3A_62 = arith.constant 0 : i32
      %dma_wait3A_63 = tpu.memref_slice %arg4[%mul3A_2, %dma_wait3A_62] : memref<16384x256xf32, #tpu.memory_space<hbm>> -> memref<1x256xf32, #tpu.memory_space<hbm>>
      %dma_wait3A_64 = tpu.memref_squeeze %dma_wait3A_63 : memref<1x256xf32, #tpu.memory_space<hbm>> -> memref<256xf32, #tpu.memory_space<hbm>>
      %dma_wait3A_65 = arith.constant 0 : i32
      %dma_wait3A_66 = tpu.memref_slice %arg4[%mul3A_2, %dma_wait3A_65] : memref<16384x256xf32, #tpu.memory_space<hbm>> -> memref<1x256xf32, #tpu.memory_space<hbm>>
      %dma_wait3A_67 = tpu.memref_squeeze %dma_wait3A_66 : memref<1x256xf32, #tpu.memory_space<hbm>> -> memref<256xf32, #tpu.memory_space<hbm>>
      %dma_wait3A_68 = arith.constant 0 : i32
      %dma_wait3A_69 = tpu.memref_slice %arg6[%dma_wait3A_58, %dma_wait3A_68] : memref<64x256xf32, #tpu.memory_space<vmem>> -> memref<1x256xf32, #tpu.memory_space<vmem>>
      %dma_wait3A_70 = tpu.memref_squeeze %dma_wait3A_69 : memref<1x256xf32, #tpu.memory_space<vmem>> -> memref<256xf32, #tpu.memory_space<vmem>>
      tpu.wait_dma2 semaphore(%arg9 : memref<!tpu.dma_semaphore, #tpu.memory_space<semaphore_mem>>) src(%dma_wait3A_70 : memref<256xf32, #tpu.memory_space<vmem>>) dst(%dma_wait3A_67 : memref<256xf32, #tpu.memory_space<hbm>>)
      %dma_wait3A_71 = arith.constant 0 : i32
      %dma_wait3A_72 = arith.constant 0 : i32
      %dma_wait3A_73 = tpu.memref_slice %arg6[%dma_wait3A_71, %dma_wait3A_72] : memref<64x256xf32, #tpu.memory_space<vmem>> -> memref<1x256xf32, #tpu.memory_space<vmem>>
      %dma_wait3A_74 = tpu.memref_squeeze %dma_wait3A_73 : memref<1x256xf32, #tpu.memory_space<vmem>> -> memref<256xf32, #tpu.memory_space<vmem>>
      %dma_wait3A_75 = arith.constant 0 : i32
      %dma_wait3A_76 = tpu.memref_slice %arg4[%mul3A_2, %dma_wait3A_75] : memref<16384x256xf32, #tpu.memory_space<hbm>> -> memref<1x256xf32, #tpu.memory_space<hbm>>
      %dma_wait3A_77 = tpu.memref_squeeze %dma_wait3A_76 : memref<1x256xf32, #tpu.memory_space<hbm>> -> memref<256xf32, #tpu.memory_space<hbm>>
      %dma_wait3A_78 = arith.constant 0 : i32
      %dma_wait3A_79 = tpu.memref_slice %arg4[%mul3A_2, %dma_wait3A_78] : memref<16384x256xf32, #tpu.memory_space<hbm>> -> memref<1x256xf32, #tpu.memory_space<hbm>>
      %dma_wait3A_80 = tpu.memref_squeeze %dma_wait3A_79 : memref<1x256xf32, #tpu.memory_space<hbm>> -> memref<256xf32, #tpu.memory_space<hbm>>
      %dma_wait3A_81 = arith.constant 0 : i32
      %dma_wait3A_82 = tpu.memref_slice %arg6[%dma_wait3A_71, %dma_wait3A_81] : memref<64x256xf32, #tpu.memory_space<vmem>> -> memref<1x256xf32, #tpu.memory_space<vmem>>
      %dma_wait3A_83 = tpu.memref_squeeze %dma_wait3A_82 : memref<1x256xf32, #tpu.memory_space<vmem>> -> memref<256xf32, #tpu.memory_space<vmem>>
      tpu.wait_dma2 semaphore(%arg9 : memref<!tpu.dma_semaphore, #tpu.memory_space<semaphore_mem>>) src(%dma_wait3A_83 : memref<256xf32, #tpu.memory_space<vmem>>) dst(%dma_wait3A_80 : memref<256xf32, #tpu.memory_space<hbm>>)
      %dma_wait3A_84 = arith.constant 0 : i32
      %dma_wait3A_85 = arith.constant 0 : i32
      %dma_wait3A_86 = tpu.memref_slice %arg6[%dma_wait3A_84, %dma_wait3A_85] : memref<64x256xf32, #tpu.memory_space<vmem>> -> memref<1x256xf32, #tpu.memory_space<vmem>>
      %dma_wait3A_87 = tpu.memref_squeeze %dma_wait3A_86 : memref<1x256xf32, #tpu.memory_space<vmem>> -> memref<256xf32, #tpu.memory_space<vmem>>
      %dma_wait3A_88 = arith.constant 0 : i32
      %dma_wait3A_89 = tpu.memref_slice %arg4[%mul3A_2, %dma_wait3A_88] : memref<16384x256xf32, #tpu.memory_space<hbm>> -> memref<1x256xf32, #tpu.memory_space<hbm>>
      %dma_wait3A_90 = tpu.memref_squeeze %dma_wait3A_89 : memref<1x256xf32, #tpu.memory_space<hbm>> -> memref<256xf32, #tpu.memory_space<hbm>>
      %dma_wait3A_91 = arith.constant 0 : i32
      %dma_wait3A_92 = tpu.memref_slice %arg4[%mul3A_2, %dma_wait3A_91] : memref<16384x256xf32, #tpu.memory_space<hbm>> -> memref<1x256xf32, #tpu.memory_space<hbm>>
      %dma_wait3A_93 = tpu.memref_squeeze %dma_wait3A_92 : memref<1x256xf32, #tpu.memory_space<hbm>> -> memref<256xf32, #tpu.memory_space<hbm>>
      %dma_wait3A_94 = arith.constant 0 : i32
      %dma_wait3A_95 = tpu.memref_slice %arg6[%dma_wait3A_84, %dma_wait3A_94] : memref<64x256xf32, #tpu.memory_space<vmem>> -> memref<1x256xf32, #tpu.memory_space<vmem>>
      %dma_wait3A_96 = tpu.memref_squeeze %dma_wait3A_95 : memref<1x256xf32, #tpu.memory_space<vmem>> -> memref<256xf32, #tpu.memory_space<vmem>>
      tpu.wait_dma2 semaphore(%arg9 : memref<!tpu.dma_semaphore, #tpu.memory_space<semaphore_mem>>) src(%dma_wait3A_96 : memref<256xf32, #tpu.memory_space<vmem>>) dst(%dma_wait3A_93 : memref<256xf32, #tpu.memory_space<hbm>>)
      %dma_wait3A_97 = arith.constant 0 : i32
      %dma_wait3A_98 = arith.constant 0 : i32
      %dma_wait3A_99 = tpu.memref_slice %arg6[%dma_wait3A_97, %dma_wait3A_98] : memref<64x256xf32, #tpu.memory_space<vmem>> -> memref<1x256xf32, #tpu.memory_space<vmem>>
      %dma_wait3A_100 = tpu.memref_squeeze %dma_wait3A_99 : memref<1x256xf32, #tpu.memory_space<vmem>> -> memref<256xf32, #tpu.memory_space<vmem>>
      %dma_wait3A_101 = arith.constant 0 : i32
      %dma_wait3A_102 = tpu.memref_slice %arg4[%mul3A_2, %dma_wait3A_101] : memref<16384x256xf32, #tpu.memory_space<hbm>> -> memref<1x256xf32, #tpu.memory_space<hbm>>
      %dma_wait3A_103 = tpu.memref_squeeze %dma_wait3A_102 : memref<1x256xf32, #tpu.memory_space<hbm>> -> memref<256xf32, #tpu.memory_space<hbm>>
      %dma_wait3A_104 = arith.constant 0 : i32
      %dma_wait3A_105 = tpu.memref_slice %arg4[%mul3A_2, %dma_wait3A_104] : memref<16384x256xf32, #tpu.memory_space<hbm>> -> memref<1x256xf32, #tpu.memory_space<hbm>>
      %dma_wait3A_106 = tpu.memref_squeeze %dma_wait3A_105 : memref<1x256xf32, #tpu.memory_space<hbm>> -> memref<256xf32, #tpu.memory_space<hbm>>
      %dma_wait3A_107 = arith.constant 0 : i32
      %dma_wait3A_108 = tpu.memref_slice %arg6[%dma_wait3A_97, %dma_wait3A_107] : memref<64x256xf32, #tpu.memory_space<vmem>> -> memref<1x256xf32, #tpu.memory_space<vmem>>
      %dma_wait3A_109 = tpu.memref_squeeze %dma_wait3A_108 : memref<1x256xf32, #tpu.memory_space<vmem>> -> memref<256xf32, #tpu.memory_space<vmem>>
      tpu.wait_dma2 semaphore(%arg9 : memref<!tpu.dma_semaphore, #tpu.memory_space<semaphore_mem>>) src(%dma_wait3A_109 : memref<256xf32, #tpu.memory_space<vmem>>) dst(%dma_wait3A_106 : memref<256xf32, #tpu.memory_space<hbm>>)
      %dma_wait3A_110 = arith.constant 0 : i32
      %dma_wait3A_111 = arith.constant 0 : i32
      %dma_wait3A_112 = tpu.memref_slice %arg6[%dma_wait3A_110, %dma_wait3A_111] : memref<64x256xf32, #tpu.memory_space<vmem>> -> memref<1x256xf32, #tpu.memory_space<vmem>>
      %dma_wait3A_113 = tpu.memref_squeeze %dma_wait3A_112 : memref<1x256xf32, #tpu.memory_space<vmem>> -> memref<256xf32, #tpu.memory_space<vmem>>
      %dma_wait3A_114 = arith.constant 0 : i32
      %dma_wait3A_115 = tpu.memref_slice %arg4[%mul3A_2, %dma_wait3A_114] : memref<16384x256xf32, #tpu.memory_space<hbm>> -> memref<1x256xf32, #tpu.memory_space<hbm>>
      %dma_wait3A_116 = tpu.memref_squeeze %dma_wait3A_115 : memref<1x256xf32, #tpu.memory_space<hbm>> -> memref<256xf32, #tpu.memory_space<hbm>>
      %dma_wait3A_117 = arith.constant 0 : i32
      %dma_wait3A_118 = tpu.memref_slice %arg4[%mul3A_2, %dma_wait3A_117] : memref<16384x256xf32, #tpu.memory_space<hbm>> -> memref<1x256xf32, #tpu.memory_space<hbm>>
      %dma_wait3A_119 = tpu.memref_squeeze %dma_wait3A_118 : memref<1x256xf32, #tpu.memory_space<hbm>> -> memref<256xf32, #tpu.memory_space<hbm>>
      %dma_wait3A_120 = arith.constant 0 : i32
      %dma_wait3A_121 = tpu.memref_slice %arg6[%dma_wait3A_110, %dma_wait3A_120] : memref<64x256xf32, #tpu.memory_space<vmem>> -> memref<1x256xf32, #tpu.memory_space<vmem>>
      %dma_wait3A_122 = tpu.memref_squeeze %dma_wait3A_121 : memref<1x256xf32, #tpu.memory_space<vmem>> -> memref<256xf32, #tpu.memory_space<vmem>>
      tpu.wait_dma2 semaphore(%arg9 : memref<!tpu.dma_semaphore, #tpu.memory_space<semaphore_mem>>) src(%dma_wait3A_122 : memref<256xf32, #tpu.memory_space<vmem>>) dst(%dma_wait3A_119 : memref<256xf32, #tpu.memory_space<hbm>>)
      %dma_wait3A_123 = arith.constant 0 : i32
      %dma_wait3A_124 = arith.constant 0 : i32
      %dma_wait3A_125 = tpu.memref_slice %arg6[%dma_wait3A_123, %dma_wait3A_124] : memref<64x256xf32, #tpu.memory_space<vmem>> -> memref<1x256xf32, #tpu.memory_space<vmem>>
      %dma_wait3A_126 = tpu.memref_squeeze %dma_wait3A_125 : memref<1x256xf32, #tpu.memory_space<vmem>> -> memref<256xf32, #tpu.memory_space<vmem>>
      %dma_wait3A_127 = arith.constant 0 : i32
      %dma_wait3A_128 = tpu.memref_slice %arg4[%mul3A_2, %dma_wait3A_127] : memref<16384x256xf32, #tpu.memory_space<hbm>> -> memref<1x256xf32, #tpu.memory_space<hbm>>
      %dma_wait3A_129 = tpu.memref_squeeze %dma_wait3A_128 : memref<1x256xf32, #tpu.memory_space<hbm>> -> memref<256xf32, #tpu.memory_space<hbm>>
      %dma_wait3A_130 = arith.constant 0 : i32
      %dma_wait3A_131 = tpu.memref_slice %arg4[%mul3A_2, %dma_wait3A_130] : memref<16384x256xf32, #tpu.memory_space<hbm>> -> memref<1x256xf32, #tpu.memory_space<hbm>>
      %dma_wait3A_132 = tpu.memref_squeeze %dma_wait3A_131 : memref<1x256xf32, #tpu.memory_space<hbm>> -> memref<256xf32, #tpu.memory_space<hbm>>
      %dma_wait3A_133 = arith.constant 0 : i32
      %dma_wait3A_134 = tpu.memref_slice %arg6[%dma_wait3A_123, %dma_wait3A_133] : memref<64x256xf32, #tpu.memory_space<vmem>> -> memref<1x256xf32, #tpu.memory_space<vmem>>
      %dma_wait3A_135 = tpu.memref_squeeze %dma_wait3A_134 : memref<1x256xf32, #tpu.memory_space<vmem>> -> memref<256xf32, #tpu.memory_space<vmem>>
      tpu.wait_dma2 semaphore(%arg9 : memref<!tpu.dma_semaphore, #tpu.memory_space<semaphore_mem>>) src(%dma_wait3A_135 : memref<256xf32, #tpu.memory_space<vmem>>) dst(%dma_wait3A_132 : memref<256xf32, #tpu.memory_space<hbm>>)
      %dma_wait3A_136 = arith.constant 0 : i32
      %dma_wait3A_137 = arith.constant 0 : i32
      %dma_wait3A_138 = tpu.memref_slice %arg6[%dma_wait3A_136, %dma_wait3A_137] : memref<64x256xf32, #tpu.memory_space<vmem>> -> memref<1x256xf32, #tpu.memory_space<vmem>>
      %dma_wait3A_139 = tpu.memref_squeeze %dma_wait3A_138 : memref<1x256xf32, #tpu.memory_space<vmem>> -> memref<256xf32, #tpu.memory_space<vmem>>
      %dma_wait3A_140 = arith.constant 0 : i32
      %dma_wait3A_141 = tpu.memref_slice %arg4[%mul3A_2, %dma_wait3A_140] : memref<16384x256xf32, #tpu.memory_space<hbm>> -> memref<1x256xf32, #tpu.memory_space<hbm>>
      %dma_wait3A_142 = tpu.memref_squeeze %dma_wait3A_141 : memref<1x256xf32, #tpu.memory_space<hbm>> -> memref<256xf32, #tpu.memory_space<hbm>>
      %dma_wait3A_143 = arith.constant 0 : i32
      %dma_wait3A_144 = tpu.memref_slice %arg4[%mul3A_2, %dma_wait3A_143] : memref<16384x256xf32, #tpu.memory_space<hbm>> -> memref<1x256xf32, #tpu.memory_space<hbm>>
      %dma_wait3A_145 = tpu.memref_squeeze %dma_wait3A_144 : memref<1x256xf32, #tpu.memory_space<hbm>> -> memref<256xf32, #tpu.memory_space<hbm>>
      %dma_wait3A_146 = arith.constant 0 : i32
      %dma_wait3A_147 = tpu.memref_slice %arg6[%dma_wait3A_136, %dma_wait3A_146] : memref<64x256xf32, #tpu.memory_space<vmem>> -> memref<1x256xf32, #tpu.memory_space<vmem>>
      %dma_wait3A_148 = tpu.memref_squeeze %dma_wait3A_147 : memref<1x256xf32, #tpu.memory_space<vmem>> -> memref<256xf32, #tpu.memory_space<vmem>>
      tpu.wait_dma2 semaphore(%arg9 : memref<!tpu.dma_semaphore, #tpu.memory_space<semaphore_mem>>) src(%dma_wait3A_148 : memref<256xf32, #tpu.memory_space<vmem>>) dst(%dma_wait3A_145 : memref<256xf32, #tpu.memory_space<hbm>>)
      %dma_wait3A_149 = arith.constant 0 : i32
      %dma_wait3A_150 = arith.constant 0 : i32
      %dma_wait3A_151 = tpu.memref_slice %arg6[%dma_wait3A_149, %dma_wait3A_150] : memref<64x256xf32, #tpu.memory_space<vmem>> -> memref<1x256xf32, #tpu.memory_space<vmem>>
      %dma_wait3A_152 = tpu.memref_squeeze %dma_wait3A_151 : memref<1x256xf32, #tpu.memory_space<vmem>> -> memref<256xf32, #tpu.memory_space<vmem>>
      %dma_wait3A_153 = arith.constant 0 : i32
      %dma_wait3A_154 = tpu.memref_slice %arg4[%mul3A_2, %dma_wait3A_153] : memref<16384x256xf32, #tpu.memory_space<hbm>> -> memref<1x256xf32, #tpu.memory_space<hbm>>
      %dma_wait3A_155 = tpu.memref_squeeze %dma_wait3A_154 : memref<1x256xf32, #tpu.memory_space<hbm>> -> memref<256xf32, #tpu.memory_space<hbm>>
      %dma_wait3A_156 = arith.constant 0 : i32
      %dma_wait3A_157 = tpu.memref_slice %arg4[%mul3A_2, %dma_wait3A_156] : memref<16384x256xf32, #tpu.memory_space<hbm>> -> memref<1x256xf32, #tpu.memory_space<hbm>>
      %dma_wait3A_158 = tpu.memref_squeeze %dma_wait3A_157 : memref<1x256xf32, #tpu.memory_space<hbm>> -> memref<256xf32, #tpu.memory_space<hbm>>
      %dma_wait3A_159 = arith.constant 0 : i32
      %dma_wait3A_160 = tpu.memref_slice %arg6[%dma_wait3A_149, %dma_wait3A_159] : memref<64x256xf32, #tpu.memory_space<vmem>> -> memref<1x256xf32, #tpu.memory_space<vmem>>
      %dma_wait3A_161 = tpu.memref_squeeze %dma_wait3A_160 : memref<1x256xf32, #tpu.memory_space<vmem>> -> memref<256xf32, #tpu.memory_space<vmem>>
      tpu.wait_dma2 semaphore(%arg9 : memref<!tpu.dma_semaphore, #tpu.memory_space<semaphore_mem>>) src(%dma_wait3A_161 : memref<256xf32, #tpu.memory_space<vmem>>) dst(%dma_wait3A_158 : memref<256xf32, #tpu.memory_space<hbm>>)
      %dma_wait3A_162 = arith.constant 0 : i32
      %dma_wait3A_163 = arith.constant 0 : i32
      %dma_wait3A_164 = tpu.memref_slice %arg6[%dma_wait3A_162, %dma_wait3A_163] : memref<64x256xf32, #tpu.memory_space<vmem>> -> memref<1x256xf32, #tpu.memory_space<vmem>>
      %dma_wait3A_165 = tpu.memref_squeeze %dma_wait3A_164 : memref<1x256xf32, #tpu.memory_space<vmem>> -> memref<256xf32, #tpu.memory_space<vmem>>
      %dma_wait3A_166 = arith.constant 0 : i32
      %dma_wait3A_167 = tpu.memref_slice %arg4[%mul3A_2, %dma_wait3A_166] : memref<16384x256xf32, #tpu.memory_space<hbm>> -> memref<1x256xf32, #tpu.memory_space<hbm>>
      %dma_wait3A_168 = tpu.memref_squeeze %dma_wait3A_167 : memref<1x256xf32, #tpu.memory_space<hbm>> -> memref<256xf32, #tpu.memory_space<hbm>>
      %dma_wait3A_169 = arith.constant 0 : i32
      %dma_wait3A_170 = tpu.memref_slice %arg4[%mul3A_2, %dma_wait3A_169] : memref<16384x256xf32, #tpu.memory_space<hbm>> -> memref<1x256xf32, #tpu.memory_space<hbm>>
      %dma_wait3A_171 = tpu.memref_squeeze %dma_wait3A_170 : memref<1x256xf32, #tpu.memory_space<hbm>> -> memref<256xf32, #tpu.memory_space<hbm>>
      %dma_wait3A_172 = arith.constant 0 : i32
      %dma_wait3A_173 = tpu.memref_slice %arg6[%dma_wait3A_162, %dma_wait3A_172] : memref<64x256xf32, #tpu.memory_space<vmem>> -> memref<1x256xf32, #tpu.memory_space<vmem>>
      %dma_wait3A_174 = tpu.memref_squeeze %dma_wait3A_173 : memref<1x256xf32, #tpu.memory_space<vmem>> -> memref<256xf32, #tpu.memory_space<vmem>>
      tpu.wait_dma2 semaphore(%arg9 : memref<!tpu.dma_semaphore, #tpu.memory_space<semaphore_mem>>) src(%dma_wait3A_174 : memref<256xf32, #tpu.memory_space<vmem>>) dst(%dma_wait3A_171 : memref<256xf32, #tpu.memory_space<hbm>>)
      %dma_wait3A_175 = arith.constant 0 : i32
      %dma_wait3A_176 = arith.constant 0 : i32
      %dma_wait3A_177 = tpu.memref_slice %arg6[%dma_wait3A_175, %dma_wait3A_176] : memref<64x256xf32, #tpu.memory_space<vmem>> -> memref<1x256xf32, #tpu.memory_space<vmem>>
      %dma_wait3A_178 = tpu.memref_squeeze %dma_wait3A_177 : memref<1x256xf32, #tpu.memory_space<vmem>> -> memref<256xf32, #tpu.memory_space<vmem>>
      %dma_wait3A_179 = arith.constant 0 : i32
      %dma_wait3A_180 = tpu.memref_slice %arg4[%mul3A_2, %dma_wait3A_179] : memref<16384x256xf32, #tpu.memory_space<hbm>> -> memref<1x256xf32, #tpu.memory_space<hbm>>
      %dma_wait3A_181 = tpu.memref_squeeze %dma_wait3A_180 : memref<1x256xf32, #tpu.memory_space<hbm>> -> memref<256xf32, #tpu.memory_space<hbm>>
      %dma_wait3A_182 = arith.constant 0 : i32
      %dma_wait3A_183 = tpu.memref_slice %arg4[%mul3A_2, %dma_wait3A_182] : memref<16384x256xf32, #tpu.memory_space<hbm>> -> memref<1x256xf32, #tpu.memory_space<hbm>>
      %dma_wait3A_184 = tpu.memref_squeeze %dma_wait3A_183 : memref<1x256xf32, #tpu.memory_space<hbm>> -> memref<256xf32, #tpu.memory_space<hbm>>
      %dma_wait3A_185 = arith.constant 0 : i32
      %dma_wait3A_186 = tpu.memref_slice %arg6[%dma_wait3A_175, %dma_wait3A_185] : memref<64x256xf32, #tpu.memory_space<vmem>> -> memref<1x256xf32, #tpu.memory_space<vmem>>
      %dma_wait3A_187 = tpu.memref_squeeze %dma_wait3A_186 : memref<1x256xf32, #tpu.memory_space<vmem>> -> memref<256xf32, #tpu.memory_space<vmem>>
      tpu.wait_dma2 semaphore(%arg9 : memref<!tpu.dma_semaphore, #tpu.memory_space<semaphore_mem>>) src(%dma_wait3A_187 : memref<256xf32, #tpu.memory_space<vmem>>) dst(%dma_wait3A_184 : memref<256xf32, #tpu.memory_space<hbm>>)
      %dma_wait3A_188 = arith.constant 0 : i32
      %dma_wait3A_189 = arith.constant 0 : i32
      %dma_wait3A_190 = tpu.memref_slice %arg6[%dma_wait3A_188, %dma_wait3A_189] : memref<64x256xf32, #tpu.memory_space<vmem>> -> memref<1x256xf32, #tpu.memory_space<vmem>>
      %dma_wait3A_191 = tpu.memref_squeeze %dma_wait3A_190 : memref<1x256xf32, #tpu.memory_space<vmem>> -> memref<256xf32, #tpu.memory_space<vmem>>
      %dma_wait3A_192 = arith.constant 0 : i32
      %dma_wait3A_193 = tpu.memref_slice %arg4[%mul3A_2, %dma_wait3A_192] : memref<16384x256xf32, #tpu.memory_space<hbm>> -> memref<1x256xf32, #tpu.memory_space<hbm>>
      %dma_wait3A_194 = tpu.memref_squeeze %dma_wait3A_193 : memref<1x256xf32, #tpu.memory_space<hbm>> -> memref<256xf32, #tpu.memory_space<hbm>>
      %dma_wait3A_195 = arith.constant 0 : i32
      %dma_wait3A_196 = tpu.memref_slice %arg4[%mul3A_2, %dma_wait3A_195] : memref<16384x256xf32, #tpu.memory_space<hbm>> -> memref<1x256xf32, #tpu.memory_space<hbm>>
      %dma_wait3A_197 = tpu.memref_squeeze %dma_wait3A_196 : memref<1x256xf32, #tpu.memory_space<hbm>> -> memref<256xf32, #tpu.memory_space<hbm>>
      %dma_wait3A_198 = arith.constant 0 : i32
      %dma_wait3A_199 = tpu.memref_slice %arg6[%dma_wait3A_188, %dma_wait3A_198] : memref<64x256xf32, #tpu.memory_space<vmem>> -> memref<1x256xf32, #tpu.memory_space<vmem>>
      %dma_wait3A_200 = tpu.memref_squeeze %dma_wait3A_199 : memref<1x256xf32, #tpu.memory_space<vmem>> -> memref<256xf32, #tpu.memory_space<vmem>>
      tpu.wait_dma2 semaphore(%arg9 : memref<!tpu.dma_semaphore, #tpu.memory_space<semaphore_mem>>) src(%dma_wait3A_200 : memref<256xf32, #tpu.memory_space<vmem>>) dst(%dma_wait3A_197 : memref<256xf32, #tpu.memory_space<hbm>>)
      %dma_wait3A_201 = arith.constant 0 : i32
      %dma_wait3A_202 = arith.constant 0 : i32
      %dma_wait3A_203 = tpu.memref_slice %arg6[%dma_wait3A_201, %dma_wait3A_202] : memref<64x256xf32, #tpu.memory_space<vmem>> -> memref<1x256xf32, #tpu.memory_space<vmem>>
      %dma_wait3A_204 = tpu.memref_squeeze %dma_wait3A_203 : memref<1x256xf32, #tpu.memory_space<vmem>> -> memref<256xf32, #tpu.memory_space<vmem>>
      %dma_wait3A_205 = arith.constant 0 : i32
      %dma_wait3A_206 = tpu.memref_slice %arg4[%mul3A_2, %dma_wait3A_205] : memref<16384x256xf32, #tpu.memory_space<hbm>> -> memref<1x256xf32, #tpu.memory_space<hbm>>
      %dma_wait3A_207 = tpu.memref_squeeze %dma_wait3A_206 : memref<1x256xf32, #tpu.memory_space<hbm>> -> memref<256xf32, #tpu.memory_space<hbm>>
      %dma_wait3A_208 = arith.constant 0 : i32
      %dma_wait3A_209 = tpu.memref_slice %arg4[%mul3A_2, %dma_wait3A_208] : memref<16384x256xf32, #tpu.memory_space<hbm>> -> memref<1x256xf32, #tpu.memory_space<hbm>>
      %dma_wait3A_210 = tpu.memref_squeeze %dma_wait3A_209 : memref<1x256xf32, #tpu.memory_space<hbm>> -> memref<256xf32, #tpu.memory_space<hbm>>
      %dma_wait3A_211 = arith.constant 0 : i32
      %dma_wait3A_212 = tpu.memref_slice %arg6[%dma_wait3A_201, %dma_wait3A_211] : memref<64x256xf32, #tpu.memory_space<vmem>> -> memref<1x256xf32, #tpu.memory_space<vmem>>
      %dma_wait3A_213 = tpu.memref_squeeze %dma_wait3A_212 : memref<1x256xf32, #tpu.memory_space<vmem>> -> memref<256xf32, #tpu.memory_space<vmem>>
      tpu.wait_dma2 semaphore(%arg9 : memref<!tpu.dma_semaphore, #tpu.memory_space<semaphore_mem>>) src(%dma_wait3A_213 : memref<256xf32, #tpu.memory_space<vmem>>) dst(%dma_wait3A_210 : memref<256xf32, #tpu.memory_space<hbm>>)
      %dma_wait3A_214 = arith.constant 0 : i32
      %dma_wait3A_215 = arith.constant 0 : i32
      %dma_wait3A_216 = tpu.memref_slice %arg6[%dma_wait3A_214, %dma_wait3A_215] : memref<64x256xf32, #tpu.memory_space<vmem>> -> memref<1x256xf32, #tpu.memory_space<vmem>>
      %dma_wait3A_217 = tpu.memref_squeeze %dma_wait3A_216 : memref<1x256xf32, #tpu.memory_space<vmem>> -> memref<256xf32, #tpu.memory_space<vmem>>
      %dma_wait3A_218 = arith.constant 0 : i32
      %dma_wait3A_219 = tpu.memref_slice %arg4[%mul3A_2, %dma_wait3A_218] : memref<16384x256xf32, #tpu.memory_space<hbm>> -> memref<1x256xf32, #tpu.memory_space<hbm>>
      %dma_wait3A_220 = tpu.memref_squeeze %dma_wait3A_219 : memref<1x256xf32, #tpu.memory_space<hbm>> -> memref<256xf32, #tpu.memory_space<hbm>>
      %dma_wait3A_221 = arith.constant 0 : i32
      %dma_wait3A_222 = tpu.memref_slice %arg4[%mul3A_2, %dma_wait3A_221] : memref<16384x256xf32, #tpu.memory_space<hbm>> -> memref<1x256xf32, #tpu.memory_space<hbm>>
      %dma_wait3A_223 = tpu.memref_squeeze %dma_wait3A_222 : memref<1x256xf32, #tpu.memory_space<hbm>> -> memref<256xf32, #tpu.memory_space<hbm>>
      %dma_wait3A_224 = arith.constant 0 : i32
      %dma_wait3A_225 = tpu.memref_slice %arg6[%dma_wait3A_214, %dma_wait3A_224] : memref<64x256xf32, #tpu.memory_space<vmem>> -> memref<1x256xf32, #tpu.memory_space<vmem>>
      %dma_wait3A_226 = tpu.memref_squeeze %dma_wait3A_225 : memref<1x256xf32, #tpu.memory_space<vmem>> -> memref<256xf32, #tpu.memory_space<vmem>>
      tpu.wait_dma2 semaphore(%arg9 : memref<!tpu.dma_semaphore, #tpu.memory_space<semaphore_mem>>) src(%dma_wait3A_226 : memref<256xf32, #tpu.memory_space<vmem>>) dst(%dma_wait3A_223 : memref<256xf32, #tpu.memory_space<hbm>>)
    }
    %scan3A_17 = arith.constant 32 : i32
    return
  }
}

</mosaic_0001>

<sc_bundles>
// kernel: kernel.3.cloned.1.call-start
scs
__scs_entry_jumppad:
0x0: {  	(pc) =	sbr.rel $0x88, $3  }
0x1: {  	(tag) =	ssettag $0x0;
	lr =	simm.s32 $0x1  }
0x2: {  	[smem:$0x3F9F] =	sst lr;
	_ =	strace $0xD0000000  }
0x3: {  	_ = 	snop  }
0x4: {  	_ = 	snop  }
0x5: {  	_ = 	snop  }
0x6: {  	_ = 	snop  }
0x7: {  	_ = 	snop  }
__scs_overlays_trampoline_lowered:
0x8: {  	[smem:$0x3FAE] =	sst s0  }
0x9: {  	[smem:$0x3FAF] =	sst s1  }
0xa: {  	[smem:$0x3FB0] =	sst s2  }
0xb: {  	[smem:$0x3FB1] =	sst s3  }
0xc: {  	[smem:$0x3FB2] =	sst s4  }
0xd: {  	[smem:$0x3FB3] =	sst s5  }
0xe: {  	[smem:$0x3FB4] =	sst s6  }
0xf: {  	[smem:$0x3FB5] =	sst s7  }
0x10: {  	[smem:$0x3FB6] =	sst s8  }
0x11: {  	[smem:$0x3FB7] =	sst s9;
	s0 =	simm.s32 @!p0 $0x0  }
0x12: {  	s1 =	sld [smem:$0x3F9D];
	s0 =	simm.s32 @p0 $0x1  }
0x13: {  	[smem:$0x3FB8] =	sst s0;
	s0 =	simm.s32 @!p1 $0x0  }
0x14: {  	s2 =	sld [smem:$0x3F9C];
	s0 =	simm.s32 @p1 $0x1  }
0x15: {  	[smem:$0x3FB9] =	sst s0;
	s0 =	simm.s32 @!p2 $0x0  }
0x16: {  	s3 =	sld [smem:$0x3FDB];
	s0 =	simm.s32 @p2 $0x1  }
0x17: {  	s4 =	simm.s32 $0x1BF5;
	[smem:$0x3FBB] =	sst s0  }
0x18: {  	s0 =	sld [smem:$0x3F9E];
	_ =	swait.ge [sflag:s4], $0x0  }
0x19: {  	s7 =	sld [smem:$0x3F9F]  }
0x1a: {  	s8 =	sadd.s32 $0xFFFFE003, lr  }
0x1b: {  	s9 =	sadd.s32 $0xFFFFFEF7, lr;
	s5 =	simm.s32 $0xFFFFFFFF;
	p2 =	slt.u32 s8, $0xFFFFF086  }
0x1c: {  	p1 =	slt.u32 s9, $0xF7A;
	s5 =	simm.s32 @!p2 $0x0  }
0x1d: {  	s5 =	simm.s32 @p1 $0x1;
	p0 =	seq.s32 s7, s2  }
0x1e: {  	s7 =	smul.u32 @!p0 $0xF7A, s2;
	p2 =	seq.s32 @!p0 s5, $0x0  }
0x1f: {  	s9 =	smul.u32 $0xF7A, s1;
	s8 =	simm.s32 @!p0 $0x1BF5;
	p2 =	por !p2, p0  }
0x20: {  	[sflag:s8] =	ssyncset.s32 @!p0 $0xFFFFF086;
	s6 =	sadd.s32 @!p0 s3, s7;
	s7 =	simm.s32 @!p0 $0x108  }
0x21: {  	s3 =	sadd.s32 s3, s9;
	s6 =	sadd.s32 @!p0 $0x88, s6;
	s7 =	simm.s32 @p2 $0x1082  }
0x22: {  	[simem:s7], [sflag:s8] =	dma.local @!p0 [hbm:s6], $0xF7A  }
0x23: {  	s9 =	sor.u32 $0xD0000000, s2;
	s6 =	simm.s32 $0x108;
	_ =	swait.ge @!p0 [sflag:s8], $0x0  }
0x24: {  	s3 =	sadd.s32 $0x88, s3;
	s6 =	simm.s32 @!p1 $0x1082;
	[sflag:s4] =	ssyncset.s32 $0xFFFFF086  }
0x25: {  	[simem:s6], [sflag:s4] =	dma.local [hbm:s3], $0xF7A  }
0x26: {  	[smem:$0x3F9F] =	sst s1;
	(tag) =	ssettag s2;
	_ =	strace s9  }
0x27: {  	s1 =	sld [smem:$0x3FAF]  }
0x28: {  	s2 =	sld [smem:$0x3FB0]  }
0x29: {  	s4 =	sld [smem:$0x3FB2]  }
0x2a: {  	p0 =	seq.s32 s5, $0x0;
	s5 =	sld [smem:$0x3FB3]  }
0x2b: {  	s6 =	sld [smem:$0x3FB4]  }
0x2c: {  	s7 =	sld [smem:$0x3FB5]  }
0x2d: {  	s3 =	simm.s32 $0x108;
	s8 =	sld [smem:$0x3FB6]  }
0x2e: {  	s3 =	simm.s32 @!p0 $0x1082;
	s9 =	sld [smem:$0x3FB7]  }
0x2f: {  	lr =	sadd.s32 s0, s3;
	s0 =	sld [smem:$0x3FAE]  }
0x30: {  	s3 =	sld [smem:$0x3FB1]  }
0x31: {  	[smem:$0x3FBA] =	sst s10  }
0x32: {  	s10 =	sld [smem:$0x3FB8];
	_ =	sdelay $0x3  }
0x33: {  	p0 =	seq.s32 s10, $0x1;
	s10 =	sld [smem:$0x3FBA];
	_ =	sdelay $0x3  }
0x34: {  	[smem:$0x3FBA] =	sst s10  }
0x35: {  	s10 =	sld [smem:$0x3FB9];
	_ =	sdelay $0x3  }
0x36: {  	p1 =	seq.s32 s10, $0x1;
	s10 =	sld [smem:$0x3FBA];
	_ =	sdelay $0x3  }
0x37: {  	[smem:$0x3FBA] =	sst s10  }
0x38: {  	s10 =	sld [smem:$0x3FBB]  }
0x39: {  	_ = 	snop;
	(pc) =	sbr.ind lr, $3  }
0x3a: {  	_ = 	snop  }
0x3b: {  	_ = 	snop  }
0x3c: {  	p2 =	seq.s32 s10, $0x1;
	s10 =	sld [smem:$0x3FBA]  }
0x3d: {  	_ =	shalt  }
0x3e: {  	_ =	shalt  }
0x3f: {  	_ =	shalt  }
0x40: {  	_ =	shalt  }
0x41: {  	_ =	shalt  }
0x42: {  	_ =	shalt  }
0x43: {  	_ =	shalt  }
0x44: {  	_ =	shalt  }
0x45: {  	_ =	shalt  }
0x46: {  	_ =	shalt  }
0x47: {  	_ =	shalt  }
0x48: {  	_ =	shalt  }
0x49: {  	_ =	shalt  }
0x4a: {  	_ =	shalt  }
0x4b: {  	_ =	shalt  }
0x4c: {  	_ =	shalt  }
0x4d: {  	_ =	shalt  }
0x4e: {  	_ =	shalt  }
0x4f: {  	_ =	shalt  }
0x50: {  	_ =	shalt  }
0x51: {  	_ =	shalt  }
0x52: {  	_ =	shalt  }
0x53: {  	_ =	shalt  }
0x54: {  	_ =	shalt  }
0x55: {  	_ =	shalt  }
0x56: {  	_ =	shalt  }
0x57: {  	_ =	shalt  }
0x58: {  	_ =	shalt  }
0x59: {  	_ =	shalt  }
0x5a: {  	_ =	shalt  }
0x5b: {  	_ =	shalt  }
0x5c: {  	_ =	shalt  }
0x5d: {  	_ =	shalt  }
0x5e: {  	_ =	shalt  }
0x5f: {  	_ =	shalt  }
0x60: {  	_ =	shalt  }
0x61: {  	_ =	shalt  }
0x62: {  	_ =	shalt  }
0x63: {  	_ =	shalt  }
0x64: {  	_ =	shalt  }
0x65: {  	_ =	shalt  }
0x66: {  	_ =	shalt  }
0x67: {  	_ =	shalt  }
0x68: {  	_ =	shalt  }
0x69: {  	_ =	shalt  }
0x6a: {  	_ =	shalt  }
0x6b: {  	_ =	shalt  }
0x6c: {  	_ =	shalt  }
0x6d: {  	_ =	shalt  }
0x6e: {  	_ =	shalt  }
0x6f: {  	_ =	shalt  }
0x70: {  	_ =	shalt  }
0x71: {  	_ =	shalt  }
0x72: {  	_ =	shalt  }
0x73: {  	_ =	shalt  }
0x74: {  	_ =	shalt  }
0x75: {  	_ =	shalt  }
0x76: {  	_ =	shalt  }
0x77: {  	_ =	shalt  }
0x78: {  	_ =	shalt  }
0x79: {  	_ =	shalt  }
0x7a: {  	_ =	shalt  }
0x7b: {  	_ =	shalt  }
0x7c: {  	_ =	shalt  }
0x7d: {  	_ =	shalt  }
0x7e: {  	_ =	shalt  }
0x7f: {  	_ =	shalt  }
0x80: {  	_ =	shalt  }
0x81: {  	_ =	shalt  }
0x82: {  	_ =	shalt  }
0x83: {  	_ =	shalt  }
0x84: {  	_ =	shalt  }
0x85: {  	_ =	shalt  }
0x86: {  	_ =	shalt  }
0x87: {  	_ =	shalt  }
.Lfunc_end0:
.L_simem_size_0:
called_computation_lowered:
.L_overlay_start_0:
0x88: {  	s2 =	sld [smem:$0x3FD9]  }
0x89: {  	s3 =	sld [smem:$0x3FFE];
	_ =	sdelay $0x1  }
0x8a: {  	s1 =	srdreg.scid  }
0x8b: {  	s0 =	sand.u32 $0x1, s1  }
0x8c: {  	s18 =	sshll.u32 s0, $0xA;
	s2 =	sadd.s32 s3, s2  }
0x8d: {  	s2 =	sadd.s32 s2, s18  }
0x8e: {  	[smem:$0x3FC6] =	sst s2  }
0x8f: {  	_ = 	snop  }
0x90: {  	s2 =	sld [smem:$0x3FC9]  }
0x91: {  	s19 =	sld [smem:$0x3FC8]  }
0x92: {  	s4 =	sld [smem:$0x3FD0];
	(tm) =	ssettm $0x1  }
0x93: {  	s5 =	sld [smem:$0x3FFB];
	_ =	sdelay $0x3  }
0x94: {  	_ =	strace s5  }
0x95: {  	s5 =	sld [smem:$0x3FFC];
	_ =	sdelay $0x3  }
0x96: {  	_ =	strace s5  }
0x97: {  	s5 =	sld [smem:$0x3FFD];
	_ =	sdelay $0x3  }
0x98: {  	_ =	strace s5  }
0x99: {  	_ =	strace $0x8FFFFFFF  }
0x9a: {  	s20 =	sld [smem:$0x3FDB];
	_ =	sdelay $0x1  }
0x9b: {  	s6 =	simm.s32 $_scs_section_size  }
0x9c: {  	s7 =	simm.s32 $_size__tile_overlayer_lowered;
	s8 =	simm.s32 $_tile_overlayer_lowered  }
0x9d: {  	s23 =	simm.s32 $0x1BFF;
	s22 =	sshll.u32 s8, $0x1;
	s5 =	sadd.s32 s6, s20  }
0x9e: {  	s9 =	simm.s32 $0x0;
	s21 =	sshll.u32 s7, $0x1;
	s7 =	sadd.s32 s22, s5  }
0x9f: {  	[timem:s9], [sflag:s23] =	dma.local [hbm:s7], s21  }
0xa0: {  	_ =	swait.ge [sflag:s23], s21  }
0xa1: {  	s6 =	ssub.s32 $0x0, s21;
	[sflag:s23] =	ssyncset.done $0x0  }
0xa2: {  	[sflag:s23] =	ssyncadd.s32 s6;
	_ =	sdelay $0x1  }
0xa3: {  	s24 =	simm.s32 $0x1B8B  }
0xa4: {  	_ =	swait.ge [sflag:s24], $0x1  }
0xa5: {  	[sflag:s24] =	ssyncset.done $0x0  }
0xa6: {  	s25 =	simm.s32 $0x1B8E;
	[sflag:s24] =	ssyncadd.s32 $0xFFFFFFFF  }
0xa7: {  	s26 =	simm.s32 $execute0_lowered;
	[smem:$0x3FD2] =	sst s25  }
0xa8: {  	s6 =	sshll.u32 s26, $0x1;
	_ =	strace $0x80000046;
	[dreg:$0x1] =	wrdreg $0xFFFFFFFF  }
0xa9: {  	s28 =	simm.s32 $_size_execute0_lowered;
	s5 =	sadd.s32 s5, s6;
	[dreg:$0x0] =	wrdreg $0x0  }
0xaa: {  	s6 =	sshll.u32 s28, $0x1;
	[dreg:$0x2] =	wrdreg s5  }
0xab: {  	[dreg:$0x3] =	wrdreg s6  }
0xac: {  	[dreg:$0x4] =	wrdreg $0xC0  }
0xad: {  	_ =	task [dreg:s9], $0x5FFFF  }
0xae: {  	[dreg:$0x1] =	wrdreg $0xFFFFFFFF  }
0xaf: {  	[dreg:$0x0] =	wrdreg $0x60  }
0xb0: {  	[dreg:$0x2] =	wrdreg s2  }
0xb1: {  	[dreg:$0x3] =	wrdreg s19  }
0xb2: {  	[dreg:$0x4] =	wrdreg s4  }
0xb3: {  	[dreg:$0x5] =	wrdreg $0x0  }
0xb4: {  	[dreg:$0x6] =	wrdreg $0x9  }
0xb5: {  	_ =	task.clear_ibuf [dreg:s9], $0x7FFFF;
	_ =	strace $0x90000046  }
0xb6: {  	s29 =	simm.s32 $0x9;
	_ =	strace $0x80000048  }
0xb7: {  	_ =	swait.ge [sflag:s29], $0x1  }
0xb8: {  	[sflag:s29] =	ssyncadd.s32 $0xFFFFFFFF  }
0xb9: {  	_ =	strace $0x90000048  }
0xba: {  	_ =	sfence  }
0xbb: {  	s30 =	sld [smem:$0x0];
	_ =	sdelay $0x2  }
0xbc: {  	s31 =	sshll.u32 s1, $0xD;
	s1 =	sshrl.u32 s1, $0x2  }
0xbd: {  	s3 =	sand.u32 $0x4000, s31;
	s1 =	sadd.s32 s1, s30  }
0xbe: {  	s0 =	sor.u32 s3, s0;
	s1 =	sshll.u32 s1, $0x11  }
0xbf: {  	s0 =	sor.u32 s1, s0  }
0xc0: {  	s0 =	sadd.s32 $0x8F2B, s0  }
0xc1: {  	[sflag:s0] =	ssyncadd.remote.s32 $0x1  }
0xc2: {  	_ =	sfence.sel $0xFFFF  }
0xc3: {  	[dreg:$0x0] =	wrdreg $0xFFFFFFFF;
	(pc) =	sbr.abs _section_cstart, $3  }
0xc4: {  	[dreg:$0x1] =	wrdreg $0xFFFFFFFF  }
0xc5: {  	_ =	task.clear_ibuf [dreg:s9], $0x2FFFF;
	_ =	strace $0x9FFFFFFF  }
0xc6: {  	(tm) =	ssettm $0x7FFFFFFF  }
0xc7: {  	_ =	shalt  }
tec
execute0_lowered:
.L_overlay_start_1:
0x0: {  	(tag) =	ssettag $0x1  }
0x1: {  	s0 =	rddreg [dreg:$0x0]  }
0x2: {  	s1 =	rddreg [dreg:$0x2]  }
0x3: {  	s9 =	rddreg [dreg:$0x3];
	s3 =	simm.s32 $0x0;
	s2 =	srdreg.scid  }
0x4: {  	s4 =	stileid.u32;
	[smem:$0x7FF] =	sst s3  }
0x5: {  	s2 =	sand.u32 $0x1, s2;
	s6 =	sshll.u32 s4, $0xA;
	s29 =	sshll.u32 s4, $0xF  }
0x6: {  	_ =	strace $0x80000047;
	s5 =	ssub.s32 $0x2, s2;
	s7 =	sshll.u32 s2, $0x9  }
0x7: {  	s1 =	sadd.s32 s29, s1;
	s2 =	sshll.u32 s2, $0xE;
	s6 =	sor.u32 s7, s6  }
0x8: {  	s8 =	sshrl.u32 s5, $0x1;
	s30 =	sadd.s32 s2, s1;
	s6 =	sshrl.u32 s6, $0x3  }
0x9: {  	s5 =	ssub.s32 s5, s8;
	[dreg:$0x5] =	wrdreg s30;
	s0 =	sadd.s32 s0, s6  }
0xa: {  	p0 =	sne.s32 s4, $0x0;
	s31 =	smax.u32 s5, $0x1;
	[dreg:$0x14] =	wrdreg s0  }
0xb: {  	[dreg:$0x15] =	wrdreg s31;
	s0 =	sshrl.u32 @!p0 s9, $0x3  }
0xc: {  	s10 =	simm.s32 $0x2;
	s1 =	simm.s32 $0x0;
	[dreg:$0x16] =	wrdreg s0  }
.LBB2_1:
0xd: {  	[dreg:$0x17] =	wrdreg s1  }
0xe: {  	s0 =	rddreg [dreg:$0x14]  }
0xf: {  	s2 =	simm.s32 $0x4400;
	s1 =	rddreg [dreg:$0x1]  }
0x10: {  	[tilespmem:s2], [sflag:$0x1] =	stream.linear.gather [hbm4b:s0+s3], $0x200, $0x38;
	[tilespmem:$0x4600] =	vst v63  }
0x11: {  	s4 =	rddreg [dreg:$0x16];
	s0 =	simm.s32 @!p0 $0x1C01  }
0x12: {  	[spmem:s4], [sflag:s0] =	dma.local @!p0 [hbm:s1], $0x800  }
0x13: {  	s0 =	simm.s32 @!p0 $0x1  }
0x14: {  	_ =	swait.ge @!p0 [sflag:s0], $0x800  }
0x15: {  	[sflag:s0] =	ssyncset.done @!p0 $0x0  }
0x16: {  	[sflag:s0] =	ssyncadd.s32 @!p0 $0xFFFFF800  }
0x17: {  	[bflag:$0x0] =	sbarrier.arrive $0xFFFF  }
0x18: {  	s17 =	simm.s32 $0x400;
	s18 =	simm.s32 $0x1;
	s16 =	rddreg [dreg:$0x3]  }
0x19: {  	[tilespmem:s17], [sflag:$0x1] =	stream.linear.gather [spmem:s16], $0x4000, $0x38;
	[tilespmem:$0x4600] =	vst v63  }
0x1a: {  	_ =	swait.ge [sflag:s18], $0x4000  }
0x1b: {  	[sflag:s18] =	ssyncset.done $0x0  }
0x1c: {  	[sflag:s18] =	ssyncadd.s32 $0xFFFFC000  }
0x1d: {  	_ =	swait.ge [sflag:s18], $0x200  }
0x1e: {  	[sflag:s18] =	ssyncset.done $0x0  }
0x1f: {  	[sflag:s18] =	ssyncadd.s32 $0xFFFFFE00  }
0x20: {  	v0 =	vld [tilespmem:s2+$0x0];
	_ =	sdelay $0x4  }
0x21: {  	(v2sf) =	vpush v0, $0x1  }
0x22: {  	(v2sf) =	vpush v0, $0x0;
	_ =	sdelay $0x3  }
0x23: {  	(v2sf) =	vpush v0, $0x2  }
0x24: {  	s19 =	rddreg [dreg:$0x5]  }
0x25: {  	s12 =	sadd.s32 $0x0, s19  }
0x26: {  	s13 =	simm.s32 $0x200;
	s14 =	simm.s32 $0x4410;
	s2 =	sadd.s32 $0xB0, s12  }
0x27: {  	s26 =	sadd.s32 $0x60, s12;
	s23 =	sadd.s32 $0xE0, s12;
	s5 =	sadd.s32 $0xA0, s12  }
0x28: {  	s4 =	sadd.s32 $0x30, s12;
	s21 =	sadd.s32 $0x180, s12;
	s24 =	sadd.s32 $0x70, s12  }
0x29: {  	s22 =	sadd.s32 $0xF0, s12;
	s0 =	sadd.s32 $0x50, s12;
	s20 =	sadd.s32 $0xD0, s12  }
0x2a: {  	s18 =	sadd.s32 $0x1A0, s12;
	s6 =	sadd.s32 $0x20, s12;
	s1 =	sadd.s32 $0xC0, s12  }
0x2b: {  	s7 =	sadd.s32 $0x90, s12;
	s16 =	sadd.s32 $0x150, s12;
	s17 =	sadd.s32 $0x140, s12;
	(v2sf) =	vpush v0, $0x7  }
0x2c: {  	s9 =	sadd.s32 $0x80, s12;
	s11 =	sadd.s32 $0x10, s12;
	s28 =	sadd.s32 $0x120, s12;
	(v2sf) =	vpush v0, $0x3  }
0x2d: {  	s29 =	sadd.s32 $0x100, s12;
	s31 =	sadd.s32 $0x110, s12;
	s8 =	spop (v2sf)  }
0x2e: {  	s30 =	sadd.s32 $0x190, s12;
	[dreg:$0x6] =	wrdreg s20;
	s15 =	spop (v2sf)  }
0x2f: {  	s19 =	sshll.u32 s8, $0x8;
	s25 =	sshll.u32 s15, $0x8;
	s15 =	sshll.u32 s15, $0x7  }
0x30: {  	(v2sf) =	vpush v0, $0x4;
	s8 =	sshll.u32 s8, $0x7;
	s25 =	sand.u32 $0xFFFFF800, s25;
	s15 =	sand.u32 $0x380, s15  }
0x31: {  	s8 =	sand.u32 $0x380, s8;
	s19 =	sand.u32 $0xFFFFF800, s19;
	s15 =	sor.u32 s15, s25  }
0x32: {  	s8 =	sor.u32 s8, s19;
	s19 =	spop (v2sf);
	s25 =	sor.u32 $0x400, s15  }
0x33: {  	[hbm4b:s12+s3] =	stream.linear.scatter [tilespmem:s25], [sflag:$0x2], $0x80, $0x38;
	[tilespmem:$0x4600] =	vst v63  }
0x34: {  	(v2sf) =	vpush v0, $0x8;
	s15 =	sadd.s32 $0x800, s15;
	s25 =	sshll.u32 s19, $0x8;
	s19 =	sshll.u32 s19, $0x7  }
0x35: {  	(v2sf) =	vpush v0, $0x5;
	[hbm4b:s9+s3] =	stream.linear.scatter [tilespmem:s15], [sflag:$0x2], $0x80, $0x38;
	[tilespmem:$0x4600] =	vst v63  }
0x36: {  	s9 =	sand.u32 $0xFFFFF800, s25;
	s15 =	sand.u32 $0x380, s19;
	s25 =	sor.u32 $0x400, s8  }
0x37: {  	[hbm4b:s11+s3] =	stream.linear.scatter [tilespmem:s25], [sflag:$0x2], $0x80, $0x38;
	[tilespmem:$0x4600] =	vst v63  }
0x38: {  	s20 =	sadd.s32 $0x1B0, s12;
	(v2sf) =	vpush v0, $0x6;
	s8 =	sadd.s32 $0x800, s8;
	s9 =	sor.u32 s15, s9  }
0x39: {  	[hbm4b:s7+s3] =	stream.linear.scatter [tilespmem:s8], [sflag:$0x2], $0x80, $0x38;
	[tilespmem:$0x4600] =	vst v63  }
0x3a: {  	s19 =	sadd.s32 $0x1C0, s12;
	s25 =	sor.u32 $0x400, s9;
	s8 =	spop (v2sf)  }
0x3b: {  	s9 =	sadd.s32 $0x800, s9;
	s7 =	sadd.s32 $0x40, s12;
	s11 =	spop (v2sf)  }
0x3c: {  	[hbm4b:s6+s3] =	stream.linear.scatter [tilespmem:s25], [sflag:$0x2], $0x80, $0x38;
	[tilespmem:$0x4600] =	vst v63  }
0x3d: {  	s25 =	sadd.s32 $0x130, s12;
	s15 =	sshll.u32 s11, $0x8;
	s6 =	sshll.u32 s11, $0x7  }
0x3e: {  	[hbm4b:s5+s3] =	stream.linear.scatter [tilespmem:s9], [sflag:$0x2], $0x80, $0x38;
	[tilespmem:$0x4600] =	vst v63  }
0x3f: {  	s6 =	sand.u32 $0x380, s6;
	s11 =	sand.u32 $0xFFFFF800, s15;
	s9 =	spop (v2sf)  }
0x40: {  	(v2sf) =	vpush v0, $0x9;
	s6 =	sor.u32 s6, s11;
	s15 =	sshll.u32 s9, $0x8;
	s5 =	sshll.u32 s9, $0x7  }
0x41: {  	(v2sf) =	vpush v0, $0xA;
	s9 =	sand.u32 $0xFFFFF800, s15;
	s5 =	sand.u32 $0x380, s5;
	s15 =	sor.u32 $0x400, s6  }
0x42: {  	[hbm4b:s4+s3] =	stream.linear.scatter [tilespmem:s15], [sflag:$0x2], $0x80, $0x38;
	[tilespmem:$0x4600] =	vst v63  }
0x43: {  	s6 =	sadd.s32 $0x800, s6;
	s4 =	spop (v2sf);
	s5 =	sor.u32 s5, s9  }
0x44: {  	s15 =	spop (v2sf);
	s9 =	sor.u32 $0x400, s5;
	s5 =	sadd.s32 $0x800, s5  }
0x45: {  	[hbm4b:s2+s3] =	stream.linear.scatter [tilespmem:s6], [sflag:$0x2], $0x80, $0x38;
	[tilespmem:$0x4600] =	vst v63  }
0x46: {  	s6 =	sshll.u32 s8, $0x8;
	s11 =	sshll.u32 s15, $0x8;
	s2 =	sshll.u32 s15, $0x7  }
0x47: {  	s8 =	sshll.u32 s8, $0x7;
	s15 =	spop (v2sf);
	s2 =	sand.u32 $0x380, s2  }
0x48: {  	[hbm4b:s7+s3] =	stream.linear.scatter [tilespmem:s9], [sflag:$0x2], $0x80, $0x38;
	[tilespmem:$0x4600] =	vst v63  }
0x49: {  	s6 =	sand.u32 $0xFFFFF800, s6;
	s7 =	sand.u32 $0xFFFFF800, s11;
	s11 =	sshll.u32 s15, $0x7  }
0x4a: {  	s2 =	sor.u32 s2, s7;
	s7 =	sshll.u32 s15, $0x8;
	s15 =	sshll.u32 s4, $0x8  }
0x4b: {  	[hbm4b:s1+s3] =	stream.linear.scatter [tilespmem:s5], [sflag:$0x2], $0x80, $0x38;
	[tilespmem:$0x4600] =	vst v63  }
0x4c: {  	s9 =	sadd.s32 $0x800, s2;
	s1 =	sand.u32 $0xFFFFF800, s7;
	s5 =	sand.u32 $0x380, s11  }
0x4d: {  	s2 =	sor.u32 $0x400, s2;
	s7 =	sor.u32 s5, s1;
	s5 =	sand.u32 $0xFFFFF800, s15  }
0x4e: {  	[hbm4b:s0+s3] =	stream.linear.scatter [tilespmem:s2], [sflag:$0x2], $0x80, $0x38;
	[tilespmem:$0x4600] =	vst v63  }
0x4f: {  	s1 =	sshll.u32 s4, $0x7;
	s15 =	sand.u32 $0x380, s8;
	s11 =	spop (v2sf)  }
0x50: {  	(v2sf) =	vpush v0, $0xB;
	s2 =	sshll.u32 s11, $0x8;
	s4 =	sshll.u32 s11, $0x7;
	s8 =	spop (v2sf)  }
0x51: {  	(v2sf) =	vpush v0, $0xC;
	s11 =	sand.u32 $0x380, s1;
	s0 =	sand.u32 $0xFFFFF800, s2;
	s2 =	sand.u32 $0x380, s4  }
0x52: {  	(v2sf) =	vpush v0, $0xD;
	s4 =	sshll.u32 s8, $0x7;
	s0 =	sor.u32 s2, s0;
	s2 =	sshll.u32 s8, $0x8  }
.LBB2_2:
0x53: {  	s8 =	rddreg [dreg:$0x6]  }
0x54: {  	[hbm4b:s8+s3] =	stream.linear.scatter [tilespmem:s9], [sflag:$0x2], $0x80, $0x38;
	[tilespmem:$0x4600] =	vst v63  }
0x55: {  	s8 =	sor.u32 $0x400, s7  }
0x56: {  	[hbm4b:s26+s3] =	stream.linear.scatter [tilespmem:s8], [sflag:$0x2], $0x80, $0x38;
	[tilespmem:$0x4600] =	vst v63  }
0x57: {  	s6 =	sor.u32 s15, s6;
	s8 =	sadd.s32 $0x800, s7  }
0x58: {  	[hbm4b:s23+s3] =	stream.linear.scatter [tilespmem:s8], [sflag:$0x2], $0x80, $0x38;
	[tilespmem:$0x4600] =	vst v63  }
0x59: {  	s23 =	sor.u32 $0x400, s6  }
0x5a: {  	[hbm4b:s24+s3] =	stream.linear.scatter [tilespmem:s23], [sflag:$0x2], $0x80, $0x38;
	[tilespmem:$0x4600] =	vst v63  }
0x5b: {  	s5 =	sor.u32 s11, s5;
	s6 =	sadd.s32 $0x800, s6  }
0x5c: {  	[hbm4b:s22+s3] =	stream.linear.scatter [tilespmem:s6], [sflag:$0x2], $0x80, $0x38;
	[tilespmem:$0x4600] =	vst v63  }
0x5d: {  	s1 =	sand.u32 $0xFFFFF800, s2;
	s2 =	sand.u32 $0x380, s4;
	s8 =	sor.u32 $0x400, s5  }
0x5e: {  	[hbm4b:s29+s3] =	stream.linear.scatter [tilespmem:s8], [sflag:$0x2], $0x80, $0x38;
	[tilespmem:$0x4600] =	vst v63  }
0x5f: {  	s1 =	sor.u32 s2, s1;
	s5 =	sadd.s32 $0x800, s5;
	s4 =	spop (v2sf)  }
0x60: {  	s24 =	sor.u32 $0x400, s0;
	s8 =	sadd.s32 $0x800, s0;
	s9 =	sshll.u32 s4, $0x8  }
0x61: {  	[hbm4b:s21+s3] =	stream.linear.scatter [tilespmem:s5], [sflag:$0x2], $0x80, $0x38;
	[tilespmem:$0x4600] =	vst v63  }
0x62: {  	(v2sf) =	vpush v0, $0xE;
	s4 =	sshll.u32 s4, $0x7;
	s26 =	spop (v2sf);
	s21 =	sadd.s32 $0x800, s1  }
0x63: {  	(v2sf) =	vpush v0, $0xF;
	s15 =	sand.u32 $0xFFFFF800, s9;
	s4 =	sand.u32 $0x380, s4;
	s11 =	sshll.u32 s26, $0x8  }
0x64: {  	[hbm4b:s31+s3] =	stream.linear.scatter [tilespmem:s24], [sflag:$0x2], $0x80, $0x38;
	[tilespmem:$0x4600] =	vst v63  }
0x65: {  	s4 =	sor.u32 s4, s15;
	s15 =	sshll.u32 s26, $0x7;
	s22 =	sand.u32 $0xFFFFF800, s11  }
0x66: {  	[hbm4b:s30+s3] =	stream.linear.scatter [tilespmem:s8], [sflag:$0x2], $0x80, $0x38;
	[tilespmem:$0x4600] =	vst v63  }
0x67: {  	s26 =	spop (v2sf);
	s11 =	sor.u32 $0x400, s1;
	s23 =	sand.u32 $0x380, s15  }
0x68: {  	[hbm4b:s28+s3] =	stream.linear.scatter [tilespmem:s11], [sflag:$0x2], $0x80, $0x38;
	[tilespmem:$0x4600] =	vst v63  }
0x69: {  	s9 =	sshll.u32 s26, $0x8;
	s15 =	sshll.u32 s26, $0x7;
	s24 =	sor.u32 $0x400, s4  }
0x6a: {  	[hbm4b:s18+s3] =	stream.linear.scatter [tilespmem:s21], [sflag:$0x2], $0x80, $0x38;
	[tilespmem:$0x4600] =	vst v63  }
0x6b: {  	s6 =	sor.u32 s23, s22;
	s2 =	sand.u32 $0xFFFFF800, s9;
	s22 =	sand.u32 $0x380, s15  }
0x6c: {  	[hbm4b:s25+s3] =	stream.linear.scatter [tilespmem:s24], [sflag:$0x2], $0x80, $0x38;
	[tilespmem:$0x4600] =	vst v63  }
0x6d: {  	s4 =	sadd.s32 $0x800, s4;
	s1 =	sor.u32 s22, s2  }
0x6e: {  	[hbm4b:s20+s3] =	stream.linear.scatter [tilespmem:s4], [sflag:$0x2], $0x80, $0x38;
	[tilespmem:$0x4600] =	vst v63  }
0x6f: {  	s7 =	sor.u32 $0x400, s6;
	s9 =	sadd.s32 $0x800, s6;
	s15 =	sor.u32 $0x400, s1  }
0x70: {  	[hbm4b:s17+s3] =	stream.linear.scatter [tilespmem:s7], [sflag:$0x2], $0x80, $0x38;
	[tilespmem:$0x4600] =	vst v63  }
0x71: {  	s18 =	sadd.s32 $0x160, s12;
	s23 =	spop (v2sf);
	s17 =	sadd.s32 $0x1D0, s12  }
0x72: {  	s26 =	sshll.u32 s23, $0x8;
	s5 =	sshll.u32 s23, $0x7;
	s8 =	spop (v2sf)  }
0x73: {  	[hbm4b:s19+s3] =	stream.linear.scatter [tilespmem:s9], [sflag:$0x2], $0x80, $0x38;
	[tilespmem:$0x4600] =	vst v63  }
0x74: {  	s2 =	sand.u32 $0xFFFFF800, s26;
	s4 =	sand.u32 $0x380, s5;
	s11 =	sshll.u32 s8, $0x8  }
0x75: {  	[hbm4b:s16+s3] =	stream.linear.scatter [tilespmem:s15], [sflag:$0x2], $0x80, $0x38;
	[tilespmem:$0x4600] =	vst v63  }
0x76: {  	s5 =	sshll.u32 s8, $0x7;
	s2 =	sor.u32 s4, s2;
	s16 =	sadd.s32 $0x800, s1  }
0x77: {  	[hbm4b:s17+s3] =	stream.linear.scatter [tilespmem:s16], [sflag:$0x2], $0x80, $0x38;
	[tilespmem:$0x4600] =	vst v63  }
0x78: {  	s4 =	sand.u32 $0xFFFFF800, s11;
	s5 =	sand.u32 $0x380, s5;
	s19 =	sor.u32 $0x400, s2  }
0x79: {  	[hbm4b:s18+s3] =	stream.linear.scatter [tilespmem:s19], [sflag:$0x2], $0x80, $0x38;
	[tilespmem:$0x4600] =	vst v63  }
0x7a: {  	s22 =	sadd.s32 $0x1E0, s12;
	s4 =	sor.u32 s5, s4;
	s21 =	sadd.s32 $0x800, s2  }
0x7b: {  	[hbm4b:s22+s3] =	stream.linear.scatter [tilespmem:s21], [sflag:$0x2], $0x80, $0x38;
	[tilespmem:$0x4600] =	vst v63  }
0x7c: {  	s23 =	sadd.s32 $0x170, s12;
	s24 =	sor.u32 $0x400, s4  }
0x7d: {  	[hbm4b:s23+s3] =	stream.linear.scatter [tilespmem:s24], [sflag:$0x2], $0x80, $0x38;
	[tilespmem:$0x4600] =	vst v63  }
0x7e: {  	s26 =	sadd.s32 $0x1F0, s12;
	s25 =	sadd.s32 $0x800, s4  }
0x7f: {  	[hbm4b:s26+s3] =	stream.linear.scatter [tilespmem:s25], [sflag:$0x2], $0x80, $0x38;
	[tilespmem:$0x4600] =	vst v63  }
0x80: {  	v0 =	vld [tilespmem:s14+$0x0];
	_ =	sdelay $0x2  }
0x81: {  	s20 =	rddreg [dreg:$0x5]  }
0x82: {  	s12 =	sadd.s32 s13, s20  }
0x83: {  	s0 =	sadd.s32 $0xB0, s12;
	(v2sf) =	vpush v0, $0x1  }
0x84: {  	s6 =	sadd.s32 $0x180, s12;
	[dreg:$0x7] =	wrdreg s0;
	(v2sf) =	vpush v0, $0x0  }
0x85: {  	s7 =	sadd.s32 $0xF0, s12;
	[dreg:$0x11] =	wrdreg s6  }
0x86: {  	p1 =	sne.s32 s13, $0x3E00;
	s8 =	sadd.s32 $0x50, s12;
	[dreg:$0x13] =	wrdreg s7;
	(v2sf) =	vpush v0, $0x2  }
0x87: {  	s13 =	sadd.s32 $0x200, s13;
	s9 =	sadd.s32 $0xD0, s12;
	[dreg:$0x8] =	wrdreg s8;
	(v2sf) =	vpush v0, $0x7  }
0x88: {  	s11 =	sadd.s32 $0x1A0, s12;
	s28 =	sadd.s32 $0x120, s12;
	[dreg:$0x6] =	wrdreg s9  }
0x89: {  	s29 =	sadd.s32 $0x100, s12;
	s1 =	sadd.s32 $0x60, s12;
	[dreg:$0xe] =	wrdreg s11;
	(v2sf) =	vpush v0, $0x3  }
0x8a: {  	s31 =	sadd.s32 $0x110, s12;
	s2 =	sadd.s32 $0xE0, s12;
	[dreg:$0x9] =	wrdreg s1  }
0x8b: {  	s30 =	sadd.s32 $0x190, s12;
	s5 =	sadd.s32 $0x30, s12;
	[dreg:$0x12] =	wrdreg s2;
	(v2sf) =	vpush v0, $0x4  }
0x8c: {  	s6 =	sadd.s32 $0x70, s12;
	s15 =	sadd.s32 $0xC0, s12;
	[dreg:$0xa] =	wrdreg s5  }
0x8d: {  	s8 =	sadd.s32 $0x20, s12;
	s4 =	sadd.s32 $0xA0, s12;
	[dreg:$0xb] =	wrdreg s15  }
0x8e: {  	s7 =	sadd.s32 $0x90, s12;
	[dreg:$0xc] =	wrdreg s4;
	s16 =	sadd.s32 $0x150, s12  }
0x8f: {  	s9 =	sadd.s32 $0x10, s12;
	s17 =	sadd.s32 $0x140, s12;
	[dreg:$0xd] =	wrdreg s16;
	(v2sf) =	vpush v0, $0x8  }
0x90: {  	s5 =	sadd.s32 $0x1C0, s12;
	[dreg:$0xf] =	wrdreg s17;
	s18 =	sadd.s32 $0x40, s12;
	(v2sf) =	vpush v0, $0x5  }
0x91: {  	s4 =	sadd.s32 $0x130, s12;
	s16 =	sadd.s32 $0x80, s12;
	[dreg:$0x10] =	wrdreg s18;
	(v2sf) =	vpush v0, $0x6  }
0x92: {  	s26 =	sadd.s32 $0x1B0, s12;
	s14 =	sadd.s32 $0x10, s14;
	s19 =	spop (v2sf)  }
0x93: {  	s20 =	sshll.u32 s19, $0x8;
	s11 =	sshll.u32 s19, $0x7;
	s21 =	spop (v2sf)  }
0x94: {  	s22 =	sshll.u32 s21, $0x8;
	s17 =	sshll.u32 s21, $0x7;
	s11 =	sand.u32 $0x380, s11  }
0x95: {  	s15 =	sand.u32 $0xFFFFF800, s20;
	s23 =	spop (v2sf);
	s18 =	sand.u32 $0xFFFFF800, s22  }
0x96: {  	s17 =	sand.u32 $0x380, s17;
	s25 =	sshll.u32 s23, $0x8;
	s0 =	spop (v2sf)  }
0x97: {  	s1 =	sshll.u32 s23, $0x7;
	s17 =	sor.u32 s17, s18;
	s18 =	sor.u32 s11, s15  }
0x98: {  	s11 =	sshll.u32 s0, $0x8;
	s2 =	spop (v2sf);
	s15 =	sshll.u32 s0, $0x7  }
0x99: {  	s19 =	sand.u32 $0xFFFFF800, s25;
	s0 =	sand.u32 $0x380, s1;
	s24 =	sor.u32 $0x400, s17  }
0x9a: {  	s17 =	sadd.s32 $0x800, s17;
	s22 =	spop (v2sf);
	s25 =	sshll.u32 s2, $0x8  }
0x9b: {  	s21 =	sshll.u32 s2, $0x7;
	s23 =	sor.u32 $0x400, s18;
	s0 =	sor.u32 s0, s19  }
0x9c: {  	[hbm4b:s12+s3] =	stream.linear.scatter [tilespmem:s24], [sflag:$0x2], $0x80, $0x38;
	[tilespmem:$0x4600] =	vst v63  }
0x9d: {  	s18 =	sadd.s32 $0x800, s18;
	s15 =	sand.u32 $0x380, s15;
	s1 =	sshll.u32 s22, $0x8  }
0x9e: {  	s2 =	spop (v2sf);
	s21 =	sand.u32 $0x380, s21;
	s19 =	sshll.u32 s22, $0x7  }
0x9f: {  	s22 =	sand.u32 $0xFFFFF800, s25;
	s24 =	spop (v2sf);
	s1 =	sand.u32 $0xFFFFF800, s1  }
0xa0: {  	s19 =	sand.u32 $0x380, s19;
	s20 =	sshll.u32 s24, $0x8;
	s25 =	spop (v2sf)  }
0xa1: {  	[hbm4b:s16+s3] =	stream.linear.scatter [tilespmem:s17], [sflag:$0x2], $0x80, $0x38;
	[tilespmem:$0x4600] =	vst v63  }
0xa2: {  	(v2sf) =	vpush v0, $0x9;
	s24 =	sshll.u32 s24, $0x7;
	s1 =	sor.u32 s19, s1;
	s19 =	sand.u32 $0xFFFFF800, s20  }
0xa3: {  	s20 =	sand.u32 $0x380, s24;
	s24 =	smov.u32 s6;
	s6 =	sshll.u32 s25, $0x8  }
0xa4: {  	[hbm4b:s9+s3] =	stream.linear.scatter [tilespmem:s23], [sflag:$0x2], $0x80, $0x38;
	[tilespmem:$0x4600] =	vst v63  }
0xa5: {  	s23 =	rddreg [dreg:$0x12];
	s16 =	sor.u32 s20, s19;
	s19 =	sshll.u32 s25, $0x7  }
0xa6: {  	s25 =	smov.u32 s4;
	s20 =	sor.u32 s21, s22;
	s22 =	rddreg [dreg:$0x13]  }
0xa7: {  	s21 =	rddreg [dreg:$0x11];
	s17 =	sand.u32 $0xFFFFF800, s6;
	s6 =	sor.u32 $0x400, s0  }
0xa8: {  	s0 =	sadd.s32 $0x800, s0;
	s4 =	sshll.u32 s2, $0x7;
	s19 =	sand.u32 $0x380, s19  }
0xa9: {  	[hbm4b:s7+s3] =	stream.linear.scatter [tilespmem:s18], [sflag:$0x2], $0x80, $0x38;
	[tilespmem:$0x4600] =	vst v63  }
0xaa: {  	(v2sf) =	vpush v0, $0xA;
	s9 =	sadd.s32 $0x800, s16;
	s18 =	sor.u32 $0x400, s20;
	s7 =	sor.u32 s19, s17  }
0xab: {  	[hbm4b:s8+s3] =	stream.linear.scatter [tilespmem:s6], [sflag:$0x2], $0x80, $0x38;
	[tilespmem:$0x4600] =	vst v63  }
0xac: {  	s17 =	rddreg [dreg:$0xc];
	s6 =	sand.u32 $0xFFFFF800, s11;
	s11 =	sand.u32 $0x380, s4  }
0xad: {  	s4 =	sadd.s32 $0x800, s20;
	s20 =	smov.u32 s26;
	s26 =	rddreg [dreg:$0x9]  }
0xae: {  	[hbm4b:s17+s3] =	stream.linear.scatter [tilespmem:s0], [sflag:$0x2], $0x80, $0x38;
	[tilespmem:$0x4600] =	vst v63  }
0xaf: {  	s19 =	smov.u32 s5;
	s8 =	sshll.u32 s2, $0x8;
	s17 =	rddreg [dreg:$0xa]  }
0xb0: {  	[hbm4b:s17+s3] =	stream.linear.scatter [tilespmem:s18], [sflag:$0x2], $0x80, $0x38;
	[tilespmem:$0x4600] =	vst v63  }
0xb1: {  	s5 =	sand.u32 $0xFFFFF800, s8;
	s18 =	rddreg [dreg:$0xe];
	s8 =	spop (v2sf)  }
0xb2: {  	s17 =	sshll.u32 s8, $0x8;
	s0 =	sshll.u32 s8, $0x7;
	s8 =	rddreg [dreg:$0x7]  }
0xb3: {  	[hbm4b:s8+s3] =	stream.linear.scatter [tilespmem:s4], [sflag:$0x2], $0x80, $0x38;
	[tilespmem:$0x4600] =	vst v63  }
0xb4: {  	s17 =	sand.u32 $0xFFFFF800, s17;
	s0 =	sand.u32 $0x380, s0;
	s8 =	rddreg [dreg:$0x10]  }
0xb5: {  	s4 =	sor.u32 $0x400, s1;
	s0 =	sor.u32 s0, s17;
	s17 =	rddreg [dreg:$0xf]  }
0xb6: {  	[hbm4b:s8+s3] =	stream.linear.scatter [tilespmem:s4], [sflag:$0x2], $0x80, $0x38;
	[tilespmem:$0x4600] =	vst v63  }
.Ltmp0:
0xb7: {  	s1 =	sadd.s32 $0x800, s1;
	s8 =	rddreg [dreg:$0xb];
	(pc) =	sbr.rel @p1 .LBB2_2-.Ltmp0, $4  }
0xb8: {  	[hbm4b:s8+s3] =	stream.linear.scatter [tilespmem:s1], [sflag:$0x2], $0x80, $0x38;
	[tilespmem:$0x4600] =	vst v63  }
0xb9: {  	(v2sf) =	vpush v0, $0xB;
	s4 =	spop (v2sf);
	s1 =	sor.u32 $0x400, s16;
	s16 =	rddreg [dreg:$0xd]  }
0xba: {  	(v2sf) =	vpush v0, $0xC;
	s2 =	sshll.u32 s4, $0x8;
	s4 =	sshll.u32 s4, $0x7;
	s8 =	rddreg [dreg:$0x8]  }
0xbb: {  	(v2sf) =	vpush v0, $0xD;
	[hbm4b:s8+s3] =	stream.linear.scatter [tilespmem:s1], [sflag:$0x2], $0x80, $0x38;
	[tilespmem:$0x4600] =	vst v63  }
0xbc: {  	s1 =	rddreg [dreg:$0x6]  }
0xbd: {  	[hbm4b:s1+s3] =	stream.linear.scatter [tilespmem:s9], [sflag:$0x2], $0x80, $0x38;
	[tilespmem:$0x4600] =	vst v63  }
0xbe: {  	s13 =	sor.u32 $0x400, s7  }
0xbf: {  	[hbm4b:s26+s3] =	stream.linear.scatter [tilespmem:s13], [sflag:$0x2], $0x80, $0x38;
	[tilespmem:$0x4600] =	vst v63  }
0xc0: {  	s14 =	sadd.s32 $0x800, s7  }
0xc1: {  	[hbm4b:s23+s3] =	stream.linear.scatter [tilespmem:s14], [sflag:$0x2], $0x80, $0x38;
	[tilespmem:$0x4600] =	vst v63  }
0xc2: {  	s23 =	sor.u32 s15, s6  }
0xc3: {  	s6 =	sor.u32 $0x400, s23  }
0xc4: {  	[hbm4b:s24+s3] =	stream.linear.scatter [tilespmem:s6], [sflag:$0x2], $0x80, $0x38;
	[tilespmem:$0x4600] =	vst v63  }
0xc5: {  	s26 =	sor.u32 s11, s5;
	s1 =	sadd.s32 $0x800, s23  }
0xc6: {  	[hbm4b:s22+s3] =	stream.linear.scatter [tilespmem:s1], [sflag:$0x2], $0x80, $0x38;
	[tilespmem:$0x4600] =	vst v63  }
0xc7: {  	s5 =	sor.u32 $0x400, s26  }
0xc8: {  	[hbm4b:s29+s3] =	stream.linear.scatter [tilespmem:s5], [sflag:$0x2], $0x80, $0x38;
	[tilespmem:$0x4600] =	vst v63  }
0xc9: {  	s1 =	sadd.s32 $0x800, s26  }
0xca: {  	[hbm4b:s21+s3] =	stream.linear.scatter [tilespmem:s1], [sflag:$0x2], $0x80, $0x38;
	[tilespmem:$0x4600] =	vst v63  }
0xcb: {  	s8 =	sand.u32 $0xFFFFF800, s2;
	s9 =	sand.u32 $0x380, s4;
	s6 =	sor.u32 $0x400, s0  }
0xcc: {  	[hbm4b:s31+s3] =	stream.linear.scatter [tilespmem:s6], [sflag:$0x2], $0x80, $0x38;
	[tilespmem:$0x4600] =	vst v63  }
0xcd: {  	s7 =	sadd.s32 $0x800, s0;
	s0 =	sor.u32 s9, s8  }
0xce: {  	[hbm4b:s30+s3] =	stream.linear.scatter [tilespmem:s7], [sflag:$0x2], $0x80, $0x38;
	[tilespmem:$0x4600] =	vst v63  }
0xcf: {  	s1 =	sor.u32 $0x400, s0  }
0xd0: {  	[hbm4b:s28+s3] =	stream.linear.scatter [tilespmem:s1], [sflag:$0x2], $0x80, $0x38;
	[tilespmem:$0x4600] =	vst v63  }
0xd1: {  	s11 =	spop (v2sf);
	s0 =	sadd.s32 $0x800, s0  }
0xd2: {  	[hbm4b:s18+s3] =	stream.linear.scatter [tilespmem:s0], [sflag:$0x2], $0x80, $0x38;
	[tilespmem:$0x4600] =	vst v63  }
0xd3: {  	s13 =	sshll.u32 s11, $0x8;
	s0 =	sshll.u32 s11, $0x7  }
0xd4: {  	s1 =	sand.u32 $0xFFFFF800, s13;
	s0 =	sand.u32 $0x380, s0  }
0xd5: {  	(v2sf) =	vpush v0, $0xE;
	s0 =	sor.u32 s0, s1  }
0xd6: {  	s14 =	spop (v2sf);
	s1 =	sor.u32 $0x400, s0  }
0xd7: {  	(v2sf) =	vpush v0, $0xF;
	[hbm4b:s25+s3] =	stream.linear.scatter [tilespmem:s1], [sflag:$0x2], $0x80, $0x38;
	[tilespmem:$0x4600] =	vst v63  }
0xd8: {  	s0 =	sadd.s32 $0x800, s0  }
0xd9: {  	[hbm4b:s20+s3] =	stream.linear.scatter [tilespmem:s0], [sflag:$0x2], $0x80, $0x38;
	[tilespmem:$0x4600] =	vst v63  }
0xda: {  	s15 =	sshll.u32 s14, $0x8;
	s0 =	sshll.u32 s14, $0x7  }
0xdb: {  	s1 =	sand.u32 $0xFFFFF800, s15;
	s0 =	sand.u32 $0x380, s0  }
0xdc: {  	s0 =	sor.u32 s0, s1  }
0xdd: {  	s1 =	sor.u32 $0x400, s0  }
0xde: {  	[hbm4b:s17+s3] =	stream.linear.scatter [tilespmem:s1], [sflag:$0x2], $0x80, $0x38;
	[tilespmem:$0x4600] =	vst v63  }
0xdf: {  	s18 =	spop (v2sf);
	s0 =	sadd.s32 $0x800, s0  }
0xe0: {  	[hbm4b:s19+s3] =	stream.linear.scatter [tilespmem:s0], [sflag:$0x2], $0x80, $0x38;
	[tilespmem:$0x4600] =	vst v63  }
0xe1: {  	s19 =	sshll.u32 s18, $0x8;
	s0 =	sshll.u32 s18, $0x7  }
0xe2: {  	s1 =	sand.u32 $0xFFFFF800, s19;
	s0 =	sand.u32 $0x380, s0  }
0xe3: {  	s23 =	sadd.s32 $0x160, s12;
	s0 =	sor.u32 s0, s1  }
0xe4: {  	s22 =	sadd.s32 $0x1D0, s12;
	s20 =	spop (v2sf);
	s1 =	sor.u32 $0x400, s0  }
0xe5: {  	[hbm4b:s16+s3] =	stream.linear.scatter [tilespmem:s1], [sflag:$0x2], $0x80, $0x38;
	[tilespmem:$0x4600] =	vst v63  }
0xe6: {  	s21 =	sshll.u32 s20, $0x8;
	s25 =	spop (v2sf);
	s1 =	sshll.u32 s20, $0x7  }
0xe7: {  	s2 =	sand.u32 $0xFFFFF800, s21;
	s0 =	sadd.s32 $0x800, s0;
	s1 =	sand.u32 $0x380, s1  }
0xe8: {  	[hbm4b:s22+s3] =	stream.linear.scatter [tilespmem:s0], [sflag:$0x2], $0x80, $0x38;
	[tilespmem:$0x4600] =	vst v63  }
0xe9: {  	s26 =	sshll.u32 s25, $0x8;
	s1 =	sor.u32 s1, s2;
	s0 =	sshll.u32 s25, $0x7  }
0xea: {  	s2 =	sand.u32 $0xFFFFF800, s26;
	s24 =	sor.u32 $0x400, s1;
	s0 =	sand.u32 $0x380, s0  }
0xeb: {  	[hbm4b:s23+s3] =	stream.linear.scatter [tilespmem:s24], [sflag:$0x2], $0x80, $0x38;
	[tilespmem:$0x4600] =	vst v63  }
0xec: {  	s28 =	sadd.s32 $0x1E0, s12;
	s1 =	sadd.s32 $0x800, s1;
	s0 =	sor.u32 s0, s2  }
0xed: {  	[hbm4b:s28+s3] =	stream.linear.scatter [tilespmem:s1], [sflag:$0x2], $0x80, $0x38;
	[tilespmem:$0x4600] =	vst v63  }
0xee: {  	s29 =	sadd.s32 $0x170, s12;
	s30 =	sor.u32 $0x400, s0  }
0xef: {  	[hbm4b:s29+s3] =	stream.linear.scatter [tilespmem:s30], [sflag:$0x2], $0x80, $0x38;
	[tilespmem:$0x4600] =	vst v63  }
0xf0: {  	s31 =	sadd.s32 $0x1F0, s12;
	s0 =	sadd.s32 $0x800, s0  }
0xf1: {  	[hbm4b:s31+s3] =	stream.linear.scatter [tilespmem:s0], [sflag:$0x2], $0x80, $0x38;
	[tilespmem:$0x4600] =	vst v63  }
0xf2: {  	_ =	swait.ge [sflag:s10], $0x100  }
0xf3: {  	[sflag:s10] =	ssyncset.done $0x0  }
0xf4: {  	[sflag:s10] =	ssyncadd.s32 $0xFFFFFF00  }
0xf5: {  	_ =	swait.ge [sflag:s10], $0x100  }
0xf6: {  	[sflag:s10] =	ssyncset.done $0x0  }
0xf7: {  	[sflag:s10] =	ssyncadd.s32 $0xFFFFFF00  }
0xf8: {  	_ =	swait.ge [sflag:s10], $0x100  }
0xf9: {  	[sflag:s10] =	ssyncset.done $0x0  }
0xfa: {  	[sflag:s10] =	ssyncadd.s32 $0xFFFFFF00  }
0xfb: {  	_ =	swait.ge [sflag:s10], $0x100  }
0xfc: {  	[sflag:s10] =	ssyncset.done $0x0  }
0xfd: {  	[sflag:s10] =	ssyncadd.s32 $0xFFFFFF00  }
0xfe: {  	_ =	swait.ge [sflag:s10], $0x100  }
0xff: {  	[sflag:s10] =	ssyncset.done $0x0  }
0x100: {  	[sflag:s10] =	ssyncadd.s32 $0xFFFFFF00  }
0x101: {  	_ =	swait.ge [sflag:s10], $0x100  }
0x102: {  	[sflag:s10] =	ssyncset.done $0x0  }
0x103: {  	[sflag:s10] =	ssyncadd.s32 $0xFFFFFF00  }
0x104: {  	_ =	swait.ge [sflag:s10], $0x100  }
0x105: {  	[sflag:s10] =	ssyncset.done $0x0  }
0x106: {  	[sflag:s10] =	ssyncadd.s32 $0xFFFFFF00  }
0x107: {  	_ =	swait.ge [sflag:s10], $0x100  }
0x108: {  	[sflag:s10] =	ssyncset.done $0x0  }
0x109: {  	[sflag:s10] =	ssyncadd.s32 $0xFFFFFF00  }
0x10a: {  	_ =	swait.ge [sflag:s10], $0x100  }
0x10b: {  	[sflag:s10] =	ssyncset.done $0x0  }
0x10c: {  	[sflag:s10] =	ssyncadd.s32 $0xFFFFFF00  }
0x10d: {  	_ =	swait.ge [sflag:s10], $0x100  }
0x10e: {  	[sflag:s10] =	ssyncset.done $0x0  }
0x10f: {  	[sflag:s10] =	ssyncadd.s32 $0xFFFFFF00  }
0x110: {  	_ =	swait.ge [sflag:s10], $0x100  }
0x111: {  	[sflag:s10] =	ssyncset.done $0x0  }
0x112: {  	[sflag:s10] =	ssyncadd.s32 $0xFFFFFF00  }
0x113: {  	_ =	swait.ge [sflag:s10], $0x100  }
0x114: {  	[sflag:s10] =	ssyncset.done $0x0  }
0x115: {  	[sflag:s10] =	ssyncadd.s32 $0xFFFFFF00  }
0x116: {  	_ =	swait.ge [sflag:s10], $0x100  }
0x117: {  	[sflag:s10] =	ssyncset.done $0x0  }
0x118: {  	[sflag:s10] =	ssyncadd.s32 $0xFFFFFF00  }
0x119: {  	_ =	swait.ge [sflag:s10], $0x100  }
0x11a: {  	[sflag:s10] =	ssyncset.done $0x0  }
0x11b: {  	[sflag:s10] =	ssyncadd.s32 $0xFFFFFF00  }
0x11c: {  	_ =	swait.ge [sflag:s10], $0x100  }
0x11d: {  	[sflag:s10] =	ssyncset.done $0x0  }
0x11e: {  	[sflag:s10] =	ssyncadd.s32 $0xFFFFFF00  }
0x11f: {  	_ =	swait.ge [sflag:s10], $0x100  }
0x120: {  	s0 =	simm.s32 $0x1F;
	[sflag:s10] =	ssyncset.done $0x0  }
.LBB2_4:
0x121: {  	p1 =	sne.s32 s0, $0x1;
	s0 =	sadd.s32 $0xFFFFFFFF, s0;
	[sflag:s10] =	ssyncadd.s32 $0xFFFFFF00  }
0x122: {  	_ =	swait.ge [sflag:s10], $0x100  }
0x123: {  	[sflag:s10] =	ssyncset.done $0x0  }
0x124: {  	[sflag:s10] =	ssyncadd.s32 $0xFFFFFF00  }
0x125: {  	_ =	swait.ge [sflag:s10], $0x100  }
0x126: {  	[sflag:s10] =	ssyncset.done $0x0  }
0x127: {  	[sflag:s10] =	ssyncadd.s32 $0xFFFFFF00  }
0x128: {  	_ =	swait.ge [sflag:s10], $0x100  }
0x129: {  	[sflag:s10] =	ssyncset.done $0x0  }
0x12a: {  	[sflag:s10] =	ssyncadd.s32 $0xFFFFFF00  }
0x12b: {  	_ =	swait.ge [sflag:s10], $0x100  }
0x12c: {  	[sflag:s10] =	ssyncset.done $0x0  }
0x12d: {  	[sflag:s10] =	ssyncadd.s32 $0xFFFFFF00  }
0x12e: {  	_ =	swait.ge [sflag:s10], $0x100  }
0x12f: {  	[sflag:s10] =	ssyncset.done $0x0  }
0x130: {  	[sflag:s10] =	ssyncadd.s32 $0xFFFFFF00  }
0x131: {  	_ =	swait.ge [sflag:s10], $0x100  }
0x132: {  	[sflag:s10] =	ssyncset.done $0x0  }
0x133: {  	[sflag:s10] =	ssyncadd.s32 $0xFFFFFF00  }
0x134: {  	_ =	swait.ge [sflag:s10], $0x100  }
0x135: {  	[sflag:s10] =	ssyncset.done $0x0  }
0x136: {  	[sflag:s10] =	ssyncadd.s32 $0xFFFFFF00  }
0x137: {  	_ =	swait.ge [sflag:s10], $0x100  }
0x138: {  	[sflag:s10] =	ssyncset.done $0x0  }
0x139: {  	[sflag:s10] =	ssyncadd.s32 $0xFFFFFF00  }
0x13a: {  	_ =	swait.ge [sflag:s10], $0x100  }
0x13b: {  	[sflag:s10] =	ssyncset.done $0x0  }
0x13c: {  	[sflag:s10] =	ssyncadd.s32 $0xFFFFFF00  }
0x13d: {  	_ =	swait.ge [sflag:s10], $0x100  }
0x13e: {  	[sflag:s10] =	ssyncset.done $0x0  }
0x13f: {  	[sflag:s10] =	ssyncadd.s32 $0xFFFFFF00  }
0x140: {  	_ =	swait.ge [sflag:s10], $0x100  }
0x141: {  	[sflag:s10] =	ssyncset.done $0x0  }
0x142: {  	[sflag:s10] =	ssyncadd.s32 $0xFFFFFF00  }
0x143: {  	_ =	swait.ge [sflag:s10], $0x100  }
0x144: {  	[sflag:s10] =	ssyncset.done $0x0  }
0x145: {  	[sflag:s10] =	ssyncadd.s32 $0xFFFFFF00  }
0x146: {  	_ =	swait.ge [sflag:s10], $0x100  }
0x147: {  	[sflag:s10] =	ssyncset.done $0x0  }
0x148: {  	[sflag:s10] =	ssyncadd.s32 $0xFFFFFF00  }
0x149: {  	_ =	swait.ge [sflag:s10], $0x100  }
0x14a: {  	[sflag:s10] =	ssyncset.done $0x0  }
0x14b: {  	[sflag:s10] =	ssyncadd.s32 $0xFFFFFF00  }
.Ltmp1:
0x14c: {  	_ =	swait.ge [sflag:s10], $0x100;
	(pc) =	sbr.rel @p1 .LBB2_4-.Ltmp1, $4  }
0x14d: {  	[sflag:s10] =	ssyncset.done $0x0  }
0x14e: {  	[sflag:s10] =	ssyncadd.s32 $0xFFFFFF00  }
0x14f: {  	_ =	swait.ge [sflag:s10], $0x100  }
0x150: {  	[sflag:s10] =	ssyncset.done $0x0  }
0x151: {  	s1 =	rddreg [dreg:$0x17]  }
0x152: {  	s0 =	rddreg [dreg:$0x15];
	s1 =	sadd.s32 $0x1, s1  }
0x153: {  	p1 =	sne.s32 s1, s0  }
.Ltmp2:
0x154: {  	_ = 	snop;
	(pc) =	sbr.rel @p1 .LBB2_1-.Ltmp2, $2  }
0x155: {  	_ =	sdelay $0x2  }
0x156: {  	[sflag:s10] =	ssyncadd.s32 $0xFFFFFF00  }
0x157: {  	_ =	sfence.sel $0x180000  }
0x158: {  	[bflag:$0x0] =	sbarrier.arrive $0xFFFF  }
0x159: {  	_ =	strace $0x90000047  }
0x15a: {  	[bflag:$0x2] =	sbarrier.arrive $0xFFFF  }
0x15b: {  	s0 =	rddreg [dreg:$0x4]  }
0x15c: {  	s0 =	sadd.s32 @!p0 $0x100000, s0  }
0x15d: {  	[sflag:s0] =	ssyncadd.tile.s32 @!p0 $0x1;
	_ =	shalt  }
.Lfunc_end2:
_tile_overlayer_lowered:
.L_overlay_start_2:
0x15e: {  	(tag) =	ssettag $0x2  }
0x15f: {  	s0 =	rddreg [dreg:$0x0];
	s2 =	stileid.u32  }
0x160: {  	s1 =	rddreg [dreg:$0x1];
	p0 =	sne.s32 s2, $0x0  }
0x161: {  	s3 =	rddreg [dreg:$0x2];
	[bflag:$0x3] =	sbarrier.arrive $0xFFFF;
	s2 =	simm.s32 @!p0 $0x1C03  }
0x162: {  	[timem:s3], [sflag:s2] =	dma.local @!p0 [hbm:s0], s1  }
0x163: {  	s0 =	simm.s32 @!p0 $0x3  }
0x164: {  	_ =	swait.ge @!p0 [sflag:s0], s1  }
0x165: {  	s1 =	ssub.s32 @!p0 $0x0, s1;
	[sflag:s0] =	ssyncset.done @!p0 $0x0  }
0x166: {  	[sflag:s0] =	ssyncadd.s32 @!p0 s1  }
0x167: {  	[bflag:$0x3] =	sbarrier.arrive $0xFFFF  }
0x168: {  	_ =	shalt  }

</sc_bundles>
